<compile_context>
chip_gen: v7x
topology: tpu7x:2x2x1
jax: 0.10.2.dev20260603
libtpu: 0.0.44.dev20260713+nightly
codegen_flags: <defaults>
</compile_context>

<pallas_src>
import jax
import jax.numpy as jnp
from jax import lax
from jax.experimental import pallas as pl
from jax.experimental.pallas import tpu as pltpu
from jax.experimental.pallas import tpu_sc as plsc

NUM_FIELDS = 26
FIELD_DIM = 38461
TOTAL_ROWS = NUM_FIELDS * FIELD_DIM
BATCH = 16384
LANES = 16
NUM_CORES = 2
NUM_SUBCORES = 16
SC_BATCH = BATCH // NUM_CORES
TILE_BATCH = SC_BATCH // NUM_SUBCORES
VECS_PER_TILE = TILE_BATCH // LANES
UNROLL = 8
GATHER_ITERS = SC_BATCH // (LANES * UNROLL)
FIELD_PAD = 38464


def _body(xt_hbm, w_hbm, b_hbm, out_hbm,
          tbl_a, tbl_b, idx_a, idx_b, part_a,
          red_v, out_v, bias_v, sem_ta, sem_tb, sem_ia, sem_ib,
          sem_pa, sem_r, part_sh):
    c = lax.axis_index("c")
    s = lax.axis_index("s")
    sc_base = c * SC_BATCH
    gbase = sc_base + s * TILE_BATCH

    f1 = s
    f2 = s + NUM_SUBCORES
    has_f2 = f2 < NUM_FIELDS

    def issue_field(f, tbl_v, idx_v, sem_t, sem_i):
        cp_t = pltpu.make_async_copy(w_hbm.at[f, :], tbl_v, sem_t)
        cp_t.start()
        cp_i = pltpu.make_async_copy(
            xt_hbm.at[f, pl.ds(sc_base, SC_BATCH)], idx_v, sem_i)
        cp_i.start()
        return cp_t, cp_i

    def gather_field(f, tbl_v, idx_v, part_v):
        def g_body(k, carry):
            base = k * (LANES * UNROLL)
            for u in range(UNROLL):
                iv = idx_v[pl.ds(base + u * LANES, LANES)]
                part_v[pl.ds(base + u * LANES, LANES)] = (
                    plsc.load_gather(tbl_v, [iv]))
            return carry

        lax.fori_loop(0, GATHER_ITERS, g_body, 0)

    cp_t1, cp_i1 = issue_field(f1, tbl_a, idx_a, sem_ta, sem_ia)

    @pl.when(has_f2)
    def _():
        issue_field(f2, tbl_b, idx_b, sem_tb, sem_ib)

    cp_t1.wait()
    cp_i1.wait()
    gather_field(f1, tbl_a, idx_a, part_a)
    cp_p1 = pltpu.make_async_copy(part_a, part_sh.at[f1, :], sem_pa)
    cp_p1.start()

    @pl.when(has_f2)
    def _():
        pltpu.make_async_copy(w_hbm.at[f2, :], tbl_b, sem_tb).wait()
        pltpu.make_async_copy(
            xt_hbm.at[f2, pl.ds(sc_base, SC_BATCH)], idx_b, sem_ib).wait()

    @pl.when(has_f2)
    def _():
        gather_field(f2, tbl_b, idx_b, red_v.at[pl.ds(0, SC_BATCH)])
        pltpu.sync_copy(red_v.at[pl.ds(0, SC_BATCH)], part_sh.at[f2, :])

    cp_p1.wait()

    plsc.subcore_barrier()

    pltpu.sync_copy(b_hbm, bias_v)
    cps = []
    for f in range(NUM_FIELDS):
        cp = pltpu.make_async_copy(
            part_sh.at[f, pl.ds(s * TILE_BATCH, TILE_BATCH)],
            red_v.at[pl.ds(f * TILE_BATCH, TILE_BATCH)], sem_r)
        cp.start()
        cps.append(cp)
    for cp in cps:
        cp.wait()
    bias_vec = bias_v[...]

    def r_body(k, carry):
        acc = red_v[pl.ds(k * LANES, LANES)]
        for f in range(1, NUM_FIELDS):
            acc = acc + red_v[pl.ds(f * TILE_BATCH + k * LANES, LANES)]
        out_v[pl.ds(k * LANES, LANES)] = acc + bias_vec
        return carry

    lax.fori_loop(0, VECS_PER_TILE, r_body, 0)
    pltpu.sync_copy(out_v, out_hbm.at[pl.ds(gbase, TILE_BATCH)])


@jax.jit
def _features_linear(xt, w, b):
    mesh = plsc.VectorSubcoreMesh(core_axis_name="c", subcore_axis_name="s")
    return pl.kernel(
        _body,
        out_type=jax.ShapeDtypeStruct((BATCH,), jnp.float32),
        mesh=mesh,
        compiler_params=pltpu.CompilerParams(
            needs_layout_passes=False, use_tc_tiling_on_sc=False),
        scratch_types=[
            pltpu.VMEM((FIELD_PAD,), jnp.float32),
            pltpu.VMEM((FIELD_PAD,), jnp.float32),
            pltpu.VMEM((SC_BATCH,), jnp.int32),
            pltpu.VMEM((SC_BATCH,), jnp.int32),
            pltpu.VMEM((SC_BATCH,), jnp.float32),
            pltpu.VMEM((NUM_FIELDS * TILE_BATCH,), jnp.float32),
            pltpu.VMEM((TILE_BATCH,), jnp.float32),
            pltpu.VMEM((LANES,), jnp.float32),
            pltpu.SemaphoreType.DMA,
            pltpu.SemaphoreType.DMA,
            pltpu.SemaphoreType.DMA,
            pltpu.SemaphoreType.DMA,
            pltpu.SemaphoreType.DMA,
            pltpu.SemaphoreType.DMA,
            pltpu.VMEM_SHARED((NUM_FIELDS, SC_BATCH), jnp.float32),
        ],
    )(xt, w, b)


def kernel(x, fc_weight, bias):
    wt = fc_weight.T
    rows = [lax.slice(wt, (0, f * FIELD_DIM), (1, (f + 1) * FIELD_DIM))
            for f in range(NUM_FIELDS)]
    w2 = jnp.pad(jnp.concatenate(rows, axis=0),
                 ((0, 0), (0, FIELD_PAD - FIELD_DIM)))
    b16 = jnp.broadcast_to(bias, (LANES,))
    return _features_linear(x.T, w2, b16).reshape(BATCH, 1)

# --- scband reference (transcript-rebuilt; emitter-appended) ---
"""Pipeline reference for scband-features-linear-58076547776934 (READ-ONLY COPY).

The authoritative reference and input builder live on the scoring server;
editing this copy changes nothing except your own understanding.
"""

import jax, jax.numpy as jnp
import numpy as np

FIELD_DIMS = [38461] * 26
OUTPUT_DIM = 1
TOTAL_ROWS = sum(FIELD_DIMS)


def setup_inputs(seed: int = 0) -> dict:
    key = jax.random.key(seed)
    k1, k2 = jax.random.split(key)
    x = jax.random.randint(k1, (16384, 26), 0, 38461, dtype=jnp.int64 if jax.config.jax_enable_x64 else jnp.int32).astype(jnp.int32)
    # Embedding table for the linear term: [sum(field_dims), output_dim]
    fc_weight = jax.random.normal(k2, (TOTAL_ROWS, OUTPUT_DIM), dtype=jnp.float32) * 0.01
    bias = jnp.zeros((OUTPUT_DIM,), dtype=jnp.float32)
    return {"x": x, "fc_weight": fc_weight, "bias": bias}


def reference(x, fc_weight, bias):
    # offsets = (0, cumsum(field_dims)[:-1])
    offsets = jnp.asarray(np.array((0, *np.cumsum(FIELD_DIMS)[:-1]), dtype=np.int32))
    idx = x + offsets[None, :]                      # [B, F]
    emb = jnp.take(fc_weight, idx, axis=0)          # [B, F, output_dim] gather
    return jnp.sum(emb, axis=1) + bias              # [B, output_dim]

if __name__ == "__main__":
    import jax
    _d = setup_inputs()
    print(jax.jit(kernel)(*tuple(_d.values())))

</pallas_src>

<mosaic_0001>
#map = affine_map<(d0, d1) -> (0, 0)>
#map1 = affine_map<(d0, d1) -> (0)>
module attributes {stable_mosaic.version = 14 : i64} {
  func.func @_body(%arg0: i32, %arg1: i32, %arg2: memref<26x16384xi32, #tpu.memory_space<hbm>>, %arg3: memref<26x38464xf32, #tpu.memory_space<hbm>>, %arg4: memref<16xf32, #tpu.memory_space<hbm>>, %arg5: memref<16384xf32, #tpu.memory_space<hbm>>, %arg6: memref<38464xf32, #tpu.memory_space<vmem>>, %arg7: memref<38464xf32, #tpu.memory_space<vmem>>, %arg8: memref<8192xi32, #tpu.memory_space<vmem>>, %arg9: memref<8192xi32, #tpu.memory_space<vmem>>, %arg10: memref<8192xf32, #tpu.memory_space<vmem>>, %arg11: memref<13312xf32, #tpu.memory_space<vmem>>, %arg12: memref<512xf32, #tpu.memory_space<vmem>>, %arg13: memref<16xf32, #tpu.memory_space<vmem>>, %arg14: memref<!tpu.dma_semaphore, #tpu.memory_space<semaphore_mem>>, %arg15: memref<!tpu.dma_semaphore, #tpu.memory_space<semaphore_mem>>, %arg16: memref<!tpu.dma_semaphore, #tpu.memory_space<semaphore_mem>>, %arg17: memref<!tpu.dma_semaphore, #tpu.memory_space<semaphore_mem>>, %arg18: memref<!tpu.dma_semaphore, #tpu.memory_space<semaphore_mem>>, %arg19: memref<!tpu.dma_semaphore, #tpu.memory_space<semaphore_mem>>, %arg20: memref<26x8192xf32, #tpu.memory_space<vmem_shared>>) attributes {dimension_semantics = [#tpu.dimension_semantics<core_parallel>, #tpu.dimension_semantics<subcore_parallel>], iteration_bounds = array<i64: 2, 16>, scalar_prefetch = 0 : i64, scratch_operands = 15 : i64, tpu.core_type = #tpu.core_type<sc_vector_subcore>, window_params = [{transform_indices = #map}, {transform_indices = #map}, {transform_indices = #map1}, {transform_indices = #map1}]} {
    %mul3A = arith.constant 8192 : i32
    %mul3A_0 = arith.muli %arg0, %mul3A : i32
    %mul3A_1 = arith.constant 512 : i32
    %mul3A_2 = arith.muli %arg1, %mul3A_1 : i32
    %add3A = arith.addi %mul3A_0, %mul3A_2 : i32
    %add3A_3 = arith.constant 16 : i32
    %add3A_4 = arith.addi %arg1, %add3A_3 : i32
    %lt3A = arith.constant 26 : i32
    %lt3A_5 = arith.cmpi slt, %add3A_4, %lt3A : i32
    %dma_start3A = arith.constant 0 : i32
    %dma_start3A_6 = tpu.memref_slice %arg3[%arg1, %dma_start3A] : memref<26x38464xf32, #tpu.memory_space<hbm>> -> memref<1x38464xf32, #tpu.memory_space<hbm>>
    %dma_start3A_7 = tpu.memref_squeeze %dma_start3A_6 : memref<1x38464xf32, #tpu.memory_space<hbm>> -> memref<38464xf32, #tpu.memory_space<hbm>>
    %dma_start3A_8 = arith.constant 0 : i32
    %dma_start3A_9 = tpu.memref_slice %arg3[%arg1, %dma_start3A_8] : memref<26x38464xf32, #tpu.memory_space<hbm>> -> memref<1x38464xf32, #tpu.memory_space<hbm>>
    %dma_start3A_10 = tpu.memref_squeeze %dma_start3A_9 : memref<1x38464xf32, #tpu.memory_space<hbm>> -> memref<38464xf32, #tpu.memory_space<hbm>>
    tpu.enqueue_dma source(%dma_start3A_10 : memref<38464xf32, #tpu.memory_space<hbm>>) target(%arg6 : memref<38464xf32, #tpu.memory_space<vmem>>) target_semaphore(%arg14 : memref<!tpu.dma_semaphore, #tpu.memory_space<semaphore_mem>>)
    %dma_start3A_11 = tpu.memref_slice %arg2[%arg1, %mul3A_0] : memref<26x16384xi32, #tpu.memory_space<hbm>> -> memref<1x8192xi32, #tpu.memory_space<hbm>>
    %dma_start3A_12 = tpu.memref_squeeze %dma_start3A_11 : memref<1x8192xi32, #tpu.memory_space<hbm>> -> memref<8192xi32, #tpu.memory_space<hbm>>
    %dma_start3A_13 = tpu.memref_slice %arg2[%arg1, %mul3A_0] : memref<26x16384xi32, #tpu.memory_space<hbm>> -> memref<1x8192xi32, #tpu.memory_space<hbm>>
    %dma_start3A_14 = tpu.memref_squeeze %dma_start3A_13 : memref<1x8192xi32, #tpu.memory_space<hbm>> -> memref<8192xi32, #tpu.memory_space<hbm>>
    tpu.enqueue_dma source(%dma_start3A_14 : memref<8192xi32, #tpu.memory_space<hbm>>) target(%arg8 : memref<8192xi32, #tpu.memory_space<vmem>>) target_semaphore(%arg16 : memref<!tpu.dma_semaphore, #tpu.memory_space<semaphore_mem>>)
    %convert_element_type3A = arith.extui %lt3A_5 : i1 to i32
    %cond3A = arith.constant 0 : i32
    %cond3A_15 = arith.cmpi ne, %convert_element_type3A, %cond3A : i32
    scf.if %cond3A_15 {
      %dma_start3A_575 = arith.constant 0 : i32
      %dma_start3A_576 = tpu.memref_slice %arg3[%add3A_4, %dma_start3A_575] : memref<26x38464xf32, #tpu.memory_space<hbm>> -> memref<1x38464xf32, #tpu.memory_space<hbm>>
      %dma_start3A_577 = tpu.memref_squeeze %dma_start3A_576 : memref<1x38464xf32, #tpu.memory_space<hbm>> -> memref<38464xf32, #tpu.memory_space<hbm>>
      %dma_start3A_578 = arith.constant 0 : i32
      %dma_start3A_579 = tpu.memref_slice %arg3[%add3A_4, %dma_start3A_578] : memref<26x38464xf32, #tpu.memory_space<hbm>> -> memref<1x38464xf32, #tpu.memory_space<hbm>>
      %dma_start3A_580 = tpu.memref_squeeze %dma_start3A_579 : memref<1x38464xf32, #tpu.memory_space<hbm>> -> memref<38464xf32, #tpu.memory_space<hbm>>
      tpu.enqueue_dma source(%dma_start3A_580 : memref<38464xf32, #tpu.memory_space<hbm>>) target(%arg7 : memref<38464xf32, #tpu.memory_space<vmem>>) target_semaphore(%arg15 : memref<!tpu.dma_semaphore, #tpu.memory_space<semaphore_mem>>)
      %dma_start3A_581 = tpu.memref_slice %arg2[%add3A_4, %mul3A_0] : memref<26x16384xi32, #tpu.memory_space<hbm>> -> memref<1x8192xi32, #tpu.memory_space<hbm>>
      %dma_start3A_582 = tpu.memref_squeeze %dma_start3A_581 : memref<1x8192xi32, #tpu.memory_space<hbm>> -> memref<8192xi32, #tpu.memory_space<hbm>>
      %dma_start3A_583 = tpu.memref_slice %arg2[%add3A_4, %mul3A_0] : memref<26x16384xi32, #tpu.memory_space<hbm>> -> memref<1x8192xi32, #tpu.memory_space<hbm>>
      %dma_start3A_584 = tpu.memref_squeeze %dma_start3A_583 : memref<1x8192xi32, #tpu.memory_space<hbm>> -> memref<8192xi32, #tpu.memory_space<hbm>>
      tpu.enqueue_dma source(%dma_start3A_584 : memref<8192xi32, #tpu.memory_space<hbm>>) target(%arg9 : memref<8192xi32, #tpu.memory_space<vmem>>) target_semaphore(%arg17 : memref<!tpu.dma_semaphore, #tpu.memory_space<semaphore_mem>>)
    } else {
    }
    %dma_wait3A = arith.constant 0 : i32
    %dma_wait3A_16 = tpu.memref_slice %arg3[%arg1, %dma_wait3A] : memref<26x38464xf32, #tpu.memory_space<hbm>> -> memref<1x38464xf32, #tpu.memory_space<hbm>>
    %dma_wait3A_17 = tpu.memref_squeeze %dma_wait3A_16 : memref<1x38464xf32, #tpu.memory_space<hbm>> -> memref<38464xf32, #tpu.memory_space<hbm>>
    %dma_wait3A_18 = arith.constant 0 : i32
    %dma_wait3A_19 = tpu.memref_slice %arg3[%arg1, %dma_wait3A_18] : memref<26x38464xf32, #tpu.memory_space<hbm>> -> memref<1x38464xf32, #tpu.memory_space<hbm>>
    %dma_wait3A_20 = tpu.memref_squeeze %dma_wait3A_19 : memref<1x38464xf32, #tpu.memory_space<hbm>> -> memref<38464xf32, #tpu.memory_space<hbm>>
    tpu.wait_dma2 semaphore(%arg14 : memref<!tpu.dma_semaphore, #tpu.memory_space<semaphore_mem>>) src(%dma_wait3A_20 : memref<38464xf32, #tpu.memory_space<hbm>>) dst(%arg6 : memref<38464xf32, #tpu.memory_space<vmem>>)
    %dma_wait3A_21 = tpu.memref_slice %arg2[%arg1, %mul3A_0] : memref<26x16384xi32, #tpu.memory_space<hbm>> -> memref<1x8192xi32, #tpu.memory_space<hbm>>
    %dma_wait3A_22 = tpu.memref_squeeze %dma_wait3A_21 : memref<1x8192xi32, #tpu.memory_space<hbm>> -> memref<8192xi32, #tpu.memory_space<hbm>>
    %dma_wait3A_23 = tpu.memref_slice %arg2[%arg1, %mul3A_0] : memref<26x16384xi32, #tpu.memory_space<hbm>> -> memref<1x8192xi32, #tpu.memory_space<hbm>>
    %dma_wait3A_24 = tpu.memref_squeeze %dma_wait3A_23 : memref<1x8192xi32, #tpu.memory_space<hbm>> -> memref<8192xi32, #tpu.memory_space<hbm>>
    tpu.wait_dma2 semaphore(%arg16 : memref<!tpu.dma_semaphore, #tpu.memory_space<semaphore_mem>>) src(%dma_wait3A_24 : memref<8192xi32, #tpu.memory_space<hbm>>) dst(%arg8 : memref<8192xi32, #tpu.memory_space<vmem>>)
    %scan3A = arith.constant 0 : i32
    %scan3A_25 = arith.constant 0 : i32
    %scan3A_26 = arith.constant 64 : i32
    %scan3A_27 = arith.addi %scan3A_25, %scan3A_26 : i32
    %scan3A_28 = arith.constant 1 : i32
    scf.for %scan3A_575 = %scan3A_25 to %scan3A_27 step %scan3A_28  : i32 {
      %mul3A_576 = arith.constant 128 : i32
      %mul3A_577 = arith.muli %scan3A_575, %mul3A_576 : i32
      %add3A_578 = arith.constant 0 : i32
      %add3A_579 = arith.addi %mul3A_577, %add3A_578 : i32
      %get3A_580 = arith.index_cast %add3A_579 : i32 to index
      %get3A_581 = tpu.vector_load %arg8[%get3A_580] {strides = array<i32>} : memref<8192xi32, #tpu.memory_space<vmem>>, vector<16xi32>,
      %gather3A = tpu.vector_load_idx %arg6[%get3A_581] : memref<38464xf32, #tpu.memory_space<vmem>>[vector<16xi32>], vector<16xf32>,
      %add3A_582 = arith.constant 0 : i32
      %add3A_583 = arith.addi %mul3A_577, %add3A_582 : i32
      %swap3A = arith.index_cast %add3A_583 : i32 to index
      %swap3A_584 = tpu.vector_load %arg10[%swap3A] {strides = array<i32>} : memref<8192xf32, #tpu.memory_space<vmem>>, vector<16xf32>,
      tpu.vector_store %arg10[%swap3A], %gather3A {strides = array<i32>} : memref<8192xf32, #tpu.memory_space<vmem>>, vector<16xf32>,
      %add3A_585 = arith.constant 16 : i32
      %add3A_586 = arith.addi %mul3A_577, %add3A_585 : i32
      %get3A_587 = arith.index_cast %add3A_586 : i32 to index
      %get3A_588 = tpu.vector_load %arg8[%get3A_587] {strides = array<i32>} : memref<8192xi32, #tpu.memory_space<vmem>>, vector<16xi32>,
      %gather3A_589 = tpu.vector_load_idx %arg6[%get3A_588] : memref<38464xf32, #tpu.memory_space<vmem>>[vector<16xi32>], vector<16xf32>,
      %add3A_590 = arith.constant 16 : i32
      %add3A_591 = arith.addi %mul3A_577, %add3A_590 : i32
      %swap3A_592 = arith.index_cast %add3A_591 : i32 to index
      %swap3A_593 = tpu.vector_load %arg10[%swap3A_592] {strides = array<i32>} : memref<8192xf32, #tpu.memory_space<vmem>>, vector<16xf32>,
      tpu.vector_store %arg10[%swap3A_592], %gather3A_589 {strides = array<i32>} : memref<8192xf32, #tpu.memory_space<vmem>>, vector<16xf32>,
      %add3A_594 = arith.constant 32 : i32
      %add3A_595 = arith.addi %mul3A_577, %add3A_594 : i32
      %get3A_596 = arith.index_cast %add3A_595 : i32 to index
      %get3A_597 = tpu.vector_load %arg8[%get3A_596] {strides = array<i32>} : memref<8192xi32, #tpu.memory_space<vmem>>, vector<16xi32>,
      %gather3A_598 = tpu.vector_load_idx %arg6[%get3A_597] : memref<38464xf32, #tpu.memory_space<vmem>>[vector<16xi32>], vector<16xf32>,
      %add3A_599 = arith.constant 32 : i32
      %add3A_600 = arith.addi %mul3A_577, %add3A_599 : i32
      %swap3A_601 = arith.index_cast %add3A_600 : i32 to index
      %swap3A_602 = tpu.vector_load %arg10[%swap3A_601] {strides = array<i32>} : memref<8192xf32, #tpu.memory_space<vmem>>, vector<16xf32>,
      tpu.vector_store %arg10[%swap3A_601], %gather3A_598 {strides = array<i32>} : memref<8192xf32, #tpu.memory_space<vmem>>, vector<16xf32>,
      %add3A_603 = arith.constant 48 : i32
      %add3A_604 = arith.addi %mul3A_577, %add3A_603 : i32
      %get3A_605 = arith.index_cast %add3A_604 : i32 to index
      %get3A_606 = tpu.vector_load %arg8[%get3A_605] {strides = array<i32>} : memref<8192xi32, #tpu.memory_space<vmem>>, vector<16xi32>,
      %gather3A_607 = tpu.vector_load_idx %arg6[%get3A_606] : memref<38464xf32, #tpu.memory_space<vmem>>[vector<16xi32>], vector<16xf32>,
      %add3A_608 = arith.constant 48 : i32
      %add3A_609 = arith.addi %mul3A_577, %add3A_608 : i32
      %swap3A_610 = arith.index_cast %add3A_609 : i32 to index
      %swap3A_611 = tpu.vector_load %arg10[%swap3A_610] {strides = array<i32>} : memref<8192xf32, #tpu.memory_space<vmem>>, vector<16xf32>,
      tpu.vector_store %arg10[%swap3A_610], %gather3A_607 {strides = array<i32>} : memref<8192xf32, #tpu.memory_space<vmem>>, vector<16xf32>,
      %add3A_612 = arith.constant 64 : i32
      %add3A_613 = arith.addi %mul3A_577, %add3A_612 : i32
      %get3A_614 = arith.index_cast %add3A_613 : i32 to index
      %get3A_615 = tpu.vector_load %arg8[%get3A_614] {strides = array<i32>} : memref<8192xi32, #tpu.memory_space<vmem>>, vector<16xi32>,
      %gather3A_616 = tpu.vector_load_idx %arg6[%get3A_615] : memref<38464xf32, #tpu.memory_space<vmem>>[vector<16xi32>], vector<16xf32>,
      %add3A_617 = arith.constant 64 : i32
      %add3A_618 = arith.addi %mul3A_577, %add3A_617 : i32
      %swap3A_619 = arith.index_cast %add3A_618 : i32 to index
      %swap3A_620 = tpu.vector_load %arg10[%swap3A_619] {strides = array<i32>} : memref<8192xf32, #tpu.memory_space<vmem>>, vector<16xf32>,
      tpu.vector_store %arg10[%swap3A_619], %gather3A_616 {strides = array<i32>} : memref<8192xf32, #tpu.memory_space<vmem>>, vector<16xf32>,
      %add3A_621 = arith.constant 80 : i32
      %add3A_622 = arith.addi %mul3A_577, %add3A_621 : i32
      %get3A_623 = arith.index_cast %add3A_622 : i32 to index
      %get3A_624 = tpu.vector_load %arg8[%get3A_623] {strides = array<i32>} : memref<8192xi32, #tpu.memory_space<vmem>>, vector<16xi32>,
      %gather3A_625 = tpu.vector_load_idx %arg6[%get3A_624] : memref<38464xf32, #tpu.memory_space<vmem>>[vector<16xi32>], vector<16xf32>,
      %add3A_626 = arith.constant 80 : i32
      %add3A_627 = arith.addi %mul3A_577, %add3A_626 : i32
      %swap3A_628 = arith.index_cast %add3A_627 : i32 to index
      %swap3A_629 = tpu.vector_load %arg10[%swap3A_628] {strides = array<i32>} : memref<8192xf32, #tpu.memory_space<vmem>>, vector<16xf32>,
      tpu.vector_store %arg10[%swap3A_628], %gather3A_625 {strides = array<i32>} : memref<8192xf32, #tpu.memory_space<vmem>>, vector<16xf32>,
      %add3A_630 = arith.constant 96 : i32
      %add3A_631 = arith.addi %mul3A_577, %add3A_630 : i32
      %get3A_632 = arith.index_cast %add3A_631 : i32 to index
      %get3A_633 = tpu.vector_load %arg8[%get3A_632] {strides = array<i32>} : memref<8192xi32, #tpu.memory_space<vmem>>, vector<16xi32>,
      %gather3A_634 = tpu.vector_load_idx %arg6[%get3A_633] : memref<38464xf32, #tpu.memory_space<vmem>>[vector<16xi32>], vector<16xf32>,
      %add3A_635 = arith.constant 96 : i32
      %add3A_636 = arith.addi %mul3A_577, %add3A_635 : i32
      %swap3A_637 = arith.index_cast %add3A_636 : i32 to index
      %swap3A_638 = tpu.vector_load %arg10[%swap3A_637] {strides = array<i32>} : memref<8192xf32, #tpu.memory_space<vmem>>, vector<16xf32>,
      tpu.vector_store %arg10[%swap3A_637], %gather3A_634 {strides = array<i32>} : memref<8192xf32, #tpu.memory_space<vmem>>, vector<16xf32>,
      %add3A_639 = arith.constant 112 : i32
      %add3A_640 = arith.addi %mul3A_577, %add3A_639 : i32
      %get3A_641 = arith.index_cast %add3A_640 : i32 to index
      %get3A_642 = tpu.vector_load %arg8[%get3A_641] {strides = array<i32>} : memref<8192xi32, #tpu.memory_space<vmem>>, vector<16xi32>,
      %gather3A_643 = tpu.vector_load_idx %arg6[%get3A_642] : memref<38464xf32, #tpu.memory_space<vmem>>[vector<16xi32>], vector<16xf32>,
      %add3A_644 = arith.constant 112 : i32
      %add3A_645 = arith.addi %mul3A_577, %add3A_644 : i32
      %swap3A_646 = arith.index_cast %add3A_645 : i32 to index
      %swap3A_647 = tpu.vector_load %arg10[%swap3A_646] {strides = array<i32>} : memref<8192xf32, #tpu.memory_space<vmem>>, vector<16xf32>,
      tpu.vector_store %arg10[%swap3A_646], %gather3A_643 {strides = array<i32>} : memref<8192xf32, #tpu.memory_space<vmem>>, vector<16xf32>,
    }
    %scan3A_29 = arith.constant 64 : i32
    %dma_start3A_30 = arith.constant 0 : i32
    %dma_start3A_31 = tpu.memref_slice %arg20[%arg1, %dma_start3A_30] : memref<26x8192xf32, #tpu.memory_space<vmem_shared>> -> memref<1x8192xf32, #tpu.memory_space<vmem_shared>>
    %dma_start3A_32 = tpu.memref_squeeze %dma_start3A_31 : memref<1x8192xf32, #tpu.memory_space<vmem_shared>> -> memref<8192xf32, #tpu.memory_space<vmem_shared>>
    %dma_start3A_33 = arith.constant 0 : i32
    %dma_start3A_34 = tpu.memref_slice %arg20[%arg1, %dma_start3A_33] : memref<26x8192xf32, #tpu.memory_space<vmem_shared>> -> memref<1x8192xf32, #tpu.memory_space<vmem_shared>>
    %dma_start3A_35 = tpu.memref_squeeze %dma_start3A_34 : memref<1x8192xf32, #tpu.memory_space<vmem_shared>> -> memref<8192xf32, #tpu.memory_space<vmem_shared>>
    tpu.enqueue_dma source(%arg10 : memref<8192xf32, #tpu.memory_space<vmem>>) target(%dma_start3A_35 : memref<8192xf32, #tpu.memory_space<vmem_shared>>) target_semaphore(%arg18 : memref<!tpu.dma_semaphore, #tpu.memory_space<semaphore_mem>>)
    %convert_element_type3A_36 = arith.extui %lt3A_5 : i1 to i32
    %cond3A_37 = arith.constant 0 : i32
    %cond3A_38 = arith.cmpi ne, %convert_element_type3A_36, %cond3A_37 : i32
    scf.if %cond3A_38 {
      %dma_wait3A_575 = arith.constant 0 : i32
      %dma_wait3A_576 = tpu.memref_slice %arg3[%add3A_4, %dma_wait3A_575] : memref<26x38464xf32, #tpu.memory_space<hbm>> -> memref<1x38464xf32, #tpu.memory_space<hbm>>
      %dma_wait3A_577 = tpu.memref_squeeze %dma_wait3A_576 : memref<1x38464xf32, #tpu.memory_space<hbm>> -> memref<38464xf32, #tpu.memory_space<hbm>>
      %dma_wait3A_578 = arith.constant 0 : i32
      %dma_wait3A_579 = tpu.memref_slice %arg3[%add3A_4, %dma_wait3A_578] : memref<26x38464xf32, #tpu.memory_space<hbm>> -> memref<1x38464xf32, #tpu.memory_space<hbm>>
      %dma_wait3A_580 = tpu.memref_squeeze %dma_wait3A_579 : memref<1x38464xf32, #tpu.memory_space<hbm>> -> memref<38464xf32, #tpu.memory_space<hbm>>
      tpu.wait_dma2 semaphore(%arg15 : memref<!tpu.dma_semaphore, #tpu.memory_space<semaphore_mem>>) src(%dma_wait3A_580 : memref<38464xf32, #tpu.memory_space<hbm>>) dst(%arg7 : memref<38464xf32, #tpu.memory_space<vmem>>)
      %dma_wait3A_581 = tpu.memref_slice %arg2[%add3A_4, %mul3A_0] : memref<26x16384xi32, #tpu.memory_space<hbm>> -> memref<1x8192xi32, #tpu.memory_space<hbm>>
      %dma_wait3A_582 = tpu.memref_squeeze %dma_wait3A_581 : memref<1x8192xi32, #tpu.memory_space<hbm>> -> memref<8192xi32, #tpu.memory_space<hbm>>
      %dma_wait3A_583 = tpu.memref_slice %arg2[%add3A_4, %mul3A_0] : memref<26x16384xi32, #tpu.memory_space<hbm>> -> memref<1x8192xi32, #tpu.memory_space<hbm>>
      %dma_wait3A_584 = tpu.memref_squeeze %dma_wait3A_583 : memref<1x8192xi32, #tpu.memory_space<hbm>> -> memref<8192xi32, #tpu.memory_space<hbm>>
      tpu.wait_dma2 semaphore(%arg17 : memref<!tpu.dma_semaphore, #tpu.memory_space<semaphore_mem>>) src(%dma_wait3A_584 : memref<8192xi32, #tpu.memory_space<hbm>>) dst(%arg9 : memref<8192xi32, #tpu.memory_space<vmem>>)
    } else {
    }
    %convert_element_type3A_39 = arith.extui %lt3A_5 : i1 to i32
    %cond3A_40 = arith.constant 0 : i32
    %cond3A_41 = arith.cmpi ne, %convert_element_type3A_39, %cond3A_40 : i32
    scf.if %cond3A_41 {
      %scan3A_575 = arith.constant 0 : i32
      %scan3A_576 = arith.constant 0 : i32
      %scan3A_577 = arith.constant 64 : i32
      %scan3A_578 = arith.addi %scan3A_576, %scan3A_577 : i32
      %scan3A_579 = arith.constant 1 : i32
      scf.for %scan3A_581 = %scan3A_576 to %scan3A_578 step %scan3A_579  : i32 {
        %mul3A_582 = arith.constant 128 : i32
        %mul3A_583 = arith.muli %scan3A_581, %mul3A_582 : i32
        %add3A_584 = arith.constant 0 : i32
        %add3A_585 = arith.addi %mul3A_583, %add3A_584 : i32
        %get3A_586 = arith.index_cast %add3A_585 : i32 to index
        %get3A_587 = tpu.vector_load %arg9[%get3A_586] {strides = array<i32>} : memref<8192xi32, #tpu.memory_space<vmem>>, vector<16xi32>,
        %gather3A = tpu.vector_load_idx %arg7[%get3A_587] : memref<38464xf32, #tpu.memory_space<vmem>>[vector<16xi32>], vector<16xf32>,
        %add3A_588 = arith.constant 0 : i32
        %add3A_589 = arith.addi %mul3A_583, %add3A_588 : i32
        %swap3A = arith.constant 0 : i32
        %swap3A_590 = tpu.memref_slice %arg11[%swap3A] : memref<13312xf32, #tpu.memory_space<vmem>> -> memref<8192xf32, #tpu.memory_space<vmem>>
        %swap3A_591 = arith.index_cast %add3A_589 : i32 to index
        %swap3A_592 = tpu.vector_load %swap3A_590[%swap3A_591] {strides = array<i32>} : memref<8192xf32, #tpu.memory_space<vmem>>, vector<16xf32>,
        tpu.vector_store %swap3A_590[%swap3A_591], %gather3A {strides = array<i32>} : memref<8192xf32, #tpu.memory_space<vmem>>, vector<16xf32>,
        %add3A_593 = arith.constant 16 : i32
        %add3A_594 = arith.addi %mul3A_583, %add3A_593 : i32
        %get3A_595 = arith.index_cast %add3A_594 : i32 to index
        %get3A_596 = tpu.vector_load %arg9[%get3A_595] {strides = array<i32>} : memref<8192xi32, #tpu.memory_space<vmem>>, vector<16xi32>,
        %gather3A_597 = tpu.vector_load_idx %arg7[%get3A_596] : memref<38464xf32, #tpu.memory_space<vmem>>[vector<16xi32>], vector<16xf32>,
        %add3A_598 = arith.constant 16 : i32
        %add3A_599 = arith.addi %mul3A_583, %add3A_598 : i32
        %swap3A_600 = arith.constant 0 : i32
        %swap3A_601 = tpu.memref_slice %arg11[%swap3A_600] : memref<13312xf32, #tpu.memory_space<vmem>> -> memref<8192xf32, #tpu.memory_space<vmem>>
        %swap3A_602 = arith.index_cast %add3A_599 : i32 to index
        %swap3A_603 = tpu.vector_load %swap3A_601[%swap3A_602] {strides = array<i32>} : memref<8192xf32, #tpu.memory_space<vmem>>, vector<16xf32>,
        tpu.vector_store %swap3A_601[%swap3A_602], %gather3A_597 {strides = array<i32>} : memref<8192xf32, #tpu.memory_space<vmem>>, vector<16xf32>,
        %add3A_604 = arith.constant 32 : i32
        %add3A_605 = arith.addi %mul3A_583, %add3A_604 : i32
        %get3A_606 = arith.index_cast %add3A_605 : i32 to index
        %get3A_607 = tpu.vector_load %arg9[%get3A_606] {strides = array<i32>} : memref<8192xi32, #tpu.memory_space<vmem>>, vector<16xi32>,
        %gather3A_608 = tpu.vector_load_idx %arg7[%get3A_607] : memref<38464xf32, #tpu.memory_space<vmem>>[vector<16xi32>], vector<16xf32>,
        %add3A_609 = arith.constant 32 : i32
        %add3A_610 = arith.addi %mul3A_583, %add3A_609 : i32
        %swap3A_611 = arith.constant 0 : i32
        %swap3A_612 = tpu.memref_slice %arg11[%swap3A_611] : memref<13312xf32, #tpu.memory_space<vmem>> -> memref<8192xf32, #tpu.memory_space<vmem>>
        %swap3A_613 = arith.index_cast %add3A_610 : i32 to index
        %swap3A_614 = tpu.vector_load %swap3A_612[%swap3A_613] {strides = array<i32>} : memref<8192xf32, #tpu.memory_space<vmem>>, vector<16xf32>,
        tpu.vector_store %swap3A_612[%swap3A_613], %gather3A_608 {strides = array<i32>} : memref<8192xf32, #tpu.memory_space<vmem>>, vector<16xf32>,
        %add3A_615 = arith.constant 48 : i32
        %add3A_616 = arith.addi %mul3A_583, %add3A_615 : i32
        %get3A_617 = arith.index_cast %add3A_616 : i32 to index
        %get3A_618 = tpu.vector_load %arg9[%get3A_617] {strides = array<i32>} : memref<8192xi32, #tpu.memory_space<vmem>>, vector<16xi32>,
        %gather3A_619 = tpu.vector_load_idx %arg7[%get3A_618] : memref<38464xf32, #tpu.memory_space<vmem>>[vector<16xi32>], vector<16xf32>,
        %add3A_620 = arith.constant 48 : i32
        %add3A_621 = arith.addi %mul3A_583, %add3A_620 : i32
        %swap3A_622 = arith.constant 0 : i32
        %swap3A_623 = tpu.memref_slice %arg11[%swap3A_622] : memref<13312xf32, #tpu.memory_space<vmem>> -> memref<8192xf32, #tpu.memory_space<vmem>>
        %swap3A_624 = arith.index_cast %add3A_621 : i32 to index
        %swap3A_625 = tpu.vector_load %swap3A_623[%swap3A_624] {strides = array<i32>} : memref<8192xf32, #tpu.memory_space<vmem>>, vector<16xf32>,
        tpu.vector_store %swap3A_623[%swap3A_624], %gather3A_619 {strides = array<i32>} : memref<8192xf32, #tpu.memory_space<vmem>>, vector<16xf32>,
        %add3A_626 = arith.constant 64 : i32
        %add3A_627 = arith.addi %mul3A_583, %add3A_626 : i32
        %get3A_628 = arith.index_cast %add3A_627 : i32 to index
        %get3A_629 = tpu.vector_load %arg9[%get3A_628] {strides = array<i32>} : memref<8192xi32, #tpu.memory_space<vmem>>, vector<16xi32>,
        %gather3A_630 = tpu.vector_load_idx %arg7[%get3A_629] : memref<38464xf32, #tpu.memory_space<vmem>>[vector<16xi32>], vector<16xf32>,
        %add3A_631 = arith.constant 64 : i32
        %add3A_632 = arith.addi %mul3A_583, %add3A_631 : i32
        %swap3A_633 = arith.constant 0 : i32
        %swap3A_634 = tpu.memref_slice %arg11[%swap3A_633] : memref<13312xf32, #tpu.memory_space<vmem>> -> memref<8192xf32, #tpu.memory_space<vmem>>
        %swap3A_635 = arith.index_cast %add3A_632 : i32 to index
        %swap3A_636 = tpu.vector_load %swap3A_634[%swap3A_635] {strides = array<i32>} : memref<8192xf32, #tpu.memory_space<vmem>>, vector<16xf32>,
        tpu.vector_store %swap3A_634[%swap3A_635], %gather3A_630 {strides = array<i32>} : memref<8192xf32, #tpu.memory_space<vmem>>, vector<16xf32>,
        %add3A_637 = arith.constant 80 : i32
        %add3A_638 = arith.addi %mul3A_583, %add3A_637 : i32
        %get3A_639 = arith.index_cast %add3A_638 : i32 to index
        %get3A_640 = tpu.vector_load %arg9[%get3A_639] {strides = array<i32>} : memref<8192xi32, #tpu.memory_space<vmem>>, vector<16xi32>,
        %gather3A_641 = tpu.vector_load_idx %arg7[%get3A_640] : memref<38464xf32, #tpu.memory_space<vmem>>[vector<16xi32>], vector<16xf32>,
        %add3A_642 = arith.constant 80 : i32
        %add3A_643 = arith.addi %mul3A_583, %add3A_642 : i32
        %swap3A_644 = arith.constant 0 : i32
        %swap3A_645 = tpu.memref_slice %arg11[%swap3A_644] : memref<13312xf32, #tpu.memory_space<vmem>> -> memref<8192xf32, #tpu.memory_space<vmem>>
        %swap3A_646 = arith.index_cast %add3A_643 : i32 to index
        %swap3A_647 = tpu.vector_load %swap3A_645[%swap3A_646] {strides = array<i32>} : memref<8192xf32, #tpu.memory_space<vmem>>, vector<16xf32>,
        tpu.vector_store %swap3A_645[%swap3A_646], %gather3A_641 {strides = array<i32>} : memref<8192xf32, #tpu.memory_space<vmem>>, vector<16xf32>,
        %add3A_648 = arith.constant 96 : i32
        %add3A_649 = arith.addi %mul3A_583, %add3A_648 : i32
        %get3A_650 = arith.index_cast %add3A_649 : i32 to index
        %get3A_651 = tpu.vector_load %arg9[%get3A_650] {strides = array<i32>} : memref<8192xi32, #tpu.memory_space<vmem>>, vector<16xi32>,
        %gather3A_652 = tpu.vector_load_idx %arg7[%get3A_651] : memref<38464xf32, #tpu.memory_space<vmem>>[vector<16xi32>], vector<16xf32>,
        %add3A_653 = arith.constant 96 : i32
        %add3A_654 = arith.addi %mul3A_583, %add3A_653 : i32
        %swap3A_655 = arith.constant 0 : i32
        %swap3A_656 = tpu.memref_slice %arg11[%swap3A_655] : memref<13312xf32, #tpu.memory_space<vmem>> -> memref<8192xf32, #tpu.memory_space<vmem>>
        %swap3A_657 = arith.index_cast %add3A_654 : i32 to index
        %swap3A_658 = tpu.vector_load %swap3A_656[%swap3A_657] {strides = array<i32>} : memref<8192xf32, #tpu.memory_space<vmem>>, vector<16xf32>,
        tpu.vector_store %swap3A_656[%swap3A_657], %gather3A_652 {strides = array<i32>} : memref<8192xf32, #tpu.memory_space<vmem>>, vector<16xf32>,
        %add3A_659 = arith.constant 112 : i32
        %add3A_660 = arith.addi %mul3A_583, %add3A_659 : i32
        %get3A_661 = arith.index_cast %add3A_660 : i32 to index
        %get3A_662 = tpu.vector_load %arg9[%get3A_661] {strides = array<i32>} : memref<8192xi32, #tpu.memory_space<vmem>>, vector<16xi32>,
        %gather3A_663 = tpu.vector_load_idx %arg7[%get3A_662] : memref<38464xf32, #tpu.memory_space<vmem>>[vector<16xi32>], vector<16xf32>,
        %add3A_664 = arith.constant 112 : i32
        %add3A_665 = arith.addi %mul3A_583, %add3A_664 : i32
        %swap3A_666 = arith.constant 0 : i32
        %swap3A_667 = tpu.memref_slice %arg11[%swap3A_666] : memref<13312xf32, #tpu.memory_space<vmem>> -> memref<8192xf32, #tpu.memory_space<vmem>>
        %swap3A_668 = arith.index_cast %add3A_665 : i32 to index
        %swap3A_669 = tpu.vector_load %swap3A_667[%swap3A_668] {strides = array<i32>} : memref<8192xf32, #tpu.memory_space<vmem>>, vector<16xf32>,
        tpu.vector_store %swap3A_667[%swap3A_668], %gather3A_663 {strides = array<i32>} : memref<8192xf32, #tpu.memory_space<vmem>>, vector<16xf32>,
      }
      %scan3A_580 = arith.constant 64 : i32
      "tpu.region"() ({
        %run_scoped3A = tpu.sem_alloc : memref<!tpu.dma_semaphore, #tpu.memory_space<semaphore_mem>>
        %dma_start3A_581 = arith.constant 0 : i32
        %dma_start3A_582 = tpu.memref_slice %arg11[%dma_start3A_581] : memref<13312xf32, #tpu.memory_space<vmem>> -> memref<8192xf32, #tpu.memory_space<vmem>>
        %dma_start3A_583 = arith.constant 0 : i32
        %dma_start3A_584 = tpu.memref_slice %arg20[%add3A_4, %dma_start3A_583] : memref<26x8192xf32, #tpu.memory_space<vmem_shared>> -> memref<1x8192xf32, #tpu.memory_space<vmem_shared>>
        %dma_start3A_585 = tpu.memref_squeeze %dma_start3A_584 : memref<1x8192xf32, #tpu.memory_space<vmem_shared>> -> memref<8192xf32, #tpu.memory_space<vmem_shared>>
        %dma_start3A_586 = arith.constant 0 : i32
        %dma_start3A_587 = tpu.memref_slice %arg20[%add3A_4, %dma_start3A_586] : memref<26x8192xf32, #tpu.memory_space<vmem_shared>> -> memref<1x8192xf32, #tpu.memory_space<vmem_shared>>
        %dma_start3A_588 = tpu.memref_squeeze %dma_start3A_587 : memref<1x8192xf32, #tpu.memory_space<vmem_shared>> -> memref<8192xf32, #tpu.memory_space<vmem_shared>>
        %dma_start3A_589 = arith.constant 0 : i32
        %dma_start3A_590 = tpu.memref_slice %arg11[%dma_start3A_589] : memref<13312xf32, #tpu.memory_space<vmem>> -> memref<8192xf32, #tpu.memory_space<vmem>>
        tpu.enqueue_dma source(%dma_start3A_590 : memref<8192xf32, #tpu.memory_space<vmem>>) target(%dma_start3A_588 : memref<8192xf32, #tpu.memory_space<vmem_shared>>) target_semaphore(%run_scoped3A : memref<!tpu.dma_semaphore, #tpu.memory_space<semaphore_mem>>)
        %dma_wait3A_591 = arith.constant 0 : i32
        %dma_wait3A_592 = tpu.memref_slice %arg11[%dma_wait3A_591] : memref<13312xf32, #tpu.memory_space<vmem>> -> memref<8192xf32, #tpu.memory_space<vmem>>
        %dma_wait3A_593 = arith.constant 0 : i32
        %dma_wait3A_594 = tpu.memref_slice %arg20[%add3A_4, %dma_wait3A_593] : memref<26x8192xf32, #tpu.memory_space<vmem_shared>> -> memref<1x8192xf32, #tpu.memory_space<vmem_shared>>
        %dma_wait3A_595 = tpu.memref_squeeze %dma_wait3A_594 : memref<1x8192xf32, #tpu.memory_space<vmem_shared>> -> memref<8192xf32, #tpu.memory_space<vmem_shared>>
        %dma_wait3A_596 = arith.constant 0 : i32
        %dma_wait3A_597 = tpu.memref_slice %arg20[%add3A_4, %dma_wait3A_596] : memref<26x8192xf32, #tpu.memory_space<vmem_shared>> -> memref<1x8192xf32, #tpu.memory_space<vmem_shared>>
        %dma_wait3A_598 = tpu.memref_squeeze %dma_wait3A_597 : memref<1x8192xf32, #tpu.memory_space<vmem_shared>> -> memref<8192xf32, #tpu.memory_space<vmem_shared>>
        %dma_wait3A_599 = arith.constant 0 : i32
        %dma_wait3A_600 = tpu.memref_slice %arg11[%dma_wait3A_599] : memref<13312xf32, #tpu.memory_space<vmem>> -> memref<8192xf32, #tpu.memory_space<vmem>>
        tpu.wait_dma2 semaphore(%run_scoped3A : memref<!tpu.dma_semaphore, #tpu.memory_space<semaphore_mem>>) src(%dma_wait3A_600 : memref<8192xf32, #tpu.memory_space<vmem>>) dst(%dma_wait3A_598 : memref<8192xf32, #tpu.memory_space<vmem_shared>>)
        tpu.yield
      }) : () -> ()
    } else {
    }
    %dma_wait3A_42 = arith.constant 0 : i32
    %dma_wait3A_43 = tpu.memref_slice %arg20[%arg1, %dma_wait3A_42] : memref<26x8192xf32, #tpu.memory_space<vmem_shared>> -> memref<1x8192xf32, #tpu.memory_space<vmem_shared>>
    %dma_wait3A_44 = tpu.memref_squeeze %dma_wait3A_43 : memref<1x8192xf32, #tpu.memory_space<vmem_shared>> -> memref<8192xf32, #tpu.memory_space<vmem_shared>>
    %dma_wait3A_45 = arith.constant 0 : i32
    %dma_wait3A_46 = tpu.memref_slice %arg20[%arg1, %dma_wait3A_45] : memref<26x8192xf32, #tpu.memory_space<vmem_shared>> -> memref<1x8192xf32, #tpu.memory_space<vmem_shared>>
    %dma_wait3A_47 = tpu.memref_squeeze %dma_wait3A_46 : memref<1x8192xf32, #tpu.memory_space<vmem_shared>> -> memref<8192xf32, #tpu.memory_space<vmem_shared>>
    tpu.wait_dma2 semaphore(%arg18 : memref<!tpu.dma_semaphore, #tpu.memory_space<semaphore_mem>>) src(%arg10 : memref<8192xf32, #tpu.memory_space<vmem>>) dst(%dma_wait3A_47 : memref<8192xf32, #tpu.memory_space<vmem_shared>>)
    %barrier3A = arith.constant 0 : index
    tpu.barrier barrier_id(%barrier3A)
    "tpu.region"() ({
      %run_scoped3A = tpu.sem_alloc : memref<!tpu.dma_semaphore, #tpu.memory_space<semaphore_mem>>
      tpu.enqueue_dma source(%arg4 : memref<16xf32, #tpu.memory_space<hbm>>) target(%arg13 : memref<16xf32, #tpu.memory_space<vmem>>) target_semaphore(%run_scoped3A : memref<!tpu.dma_semaphore, #tpu.memory_space<semaphore_mem>>)
      tpu.wait_dma2 semaphore(%run_scoped3A : memref<!tpu.dma_semaphore, #tpu.memory_space<semaphore_mem>>) src(%arg4 : memref<16xf32, #tpu.memory_space<hbm>>) dst(%arg13 : memref<16xf32, #tpu.memory_space<vmem>>)
      tpu.yield
    }) : () -> ()
    %mul3A_48 = arith.constant 512 : i32
    %mul3A_49 = arith.muli %arg1, %mul3A_48 : i32
    %dma_start3A_50 = arith.constant 0 : i32
    %dma_start3A_51 = arith.constant 0 : i32
    %dma_start3A_52 = tpu.memref_slice %arg11[%dma_start3A_51] : memref<13312xf32, #tpu.memory_space<vmem>> -> memref<512xf32, #tpu.memory_space<vmem>>
    %dma_start3A_53 = tpu.memref_slice %arg20[%dma_start3A_50, %mul3A_49] : memref<26x8192xf32, #tpu.memory_space<vmem_shared>> -> memref<1x512xf32, #tpu.memory_space<vmem_shared>>
    %dma_start3A_54 = tpu.memref_squeeze %dma_start3A_53 : memref<1x512xf32, #tpu.memory_space<vmem_shared>> -> memref<512xf32, #tpu.memory_space<vmem_shared>>
    %dma_start3A_55 = arith.constant 0 : i32
    %dma_start3A_56 = tpu.memref_slice %arg11[%dma_start3A_55] : memref<13312xf32, #tpu.memory_space<vmem>> -> memref<512xf32, #tpu.memory_space<vmem>>
    %dma_start3A_57 = tpu.memref_slice %arg20[%dma_start3A_50, %mul3A_49] : memref<26x8192xf32, #tpu.memory_space<vmem_shared>> -> memref<1x512xf32, #tpu.memory_space<vmem_shared>>
    %dma_start3A_58 = tpu.memref_squeeze %dma_start3A_57 : memref<1x512xf32, #tpu.memory_space<vmem_shared>> -> memref<512xf32, #tpu.memory_space<vmem_shared>>
    tpu.enqueue_dma source(%dma_start3A_58 : memref<512xf32, #tpu.memory_space<vmem_shared>>) target(%dma_start3A_56 : memref<512xf32, #tpu.memory_space<vmem>>) target_semaphore(%arg19 : memref<!tpu.dma_semaphore, #tpu.memory_space<semaphore_mem>>)
    %mul3A_59 = arith.constant 512 : i32
    %mul3A_60 = arith.muli %arg1, %mul3A_59 : i32
    %dma_start3A_61 = arith.constant 1 : i32
    %dma_start3A_62 = arith.constant 512 : i32
    %dma_start3A_63 = tpu.memref_slice %arg11[%dma_start3A_62] : memref<13312xf32, #tpu.memory_space<vmem>> -> memref<512xf32, #tpu.memory_space<vmem>>
    %dma_start3A_64 = tpu.memref_slice %arg20[%dma_start3A_61, %mul3A_60] : memref<26x8192xf32, #tpu.memory_space<vmem_shared>> -> memref<1x512xf32, #tpu.memory_space<vmem_shared>>
    %dma_start3A_65 = tpu.memref_squeeze %dma_start3A_64 : memref<1x512xf32, #tpu.memory_space<vmem_shared>> -> memref<512xf32, #tpu.memory_space<vmem_shared>>
    %dma_start3A_66 = arith.constant 512 : i32
    %dma_start3A_67 = tpu.memref_slice %arg11[%dma_start3A_66] : memref<13312xf32, #tpu.memory_space<vmem>> -> memref<512xf32, #tpu.memory_space<vmem>>
    %dma_start3A_68 = tpu.memref_slice %arg20[%dma_start3A_61, %mul3A_60] : memref<26x8192xf32, #tpu.memory_space<vmem_shared>> -> memref<1x512xf32, #tpu.memory_space<vmem_shared>>
    %dma_start3A_69 = tpu.memref_squeeze %dma_start3A_68 : memref<1x512xf32, #tpu.memory_space<vmem_shared>> -> memref<512xf32, #tpu.memory_space<vmem_shared>>
    tpu.enqueue_dma source(%dma_start3A_69 : memref<512xf32, #tpu.memory_space<vmem_shared>>) target(%dma_start3A_67 : memref<512xf32, #tpu.memory_space<vmem>>) target_semaphore(%arg19 : memref<!tpu.dma_semaphore, #tpu.memory_space<semaphore_mem>>)
    %mul3A_70 = arith.constant 512 : i32
    %mul3A_71 = arith.muli %arg1, %mul3A_70 : i32
    %dma_start3A_72 = arith.constant 2 : i32
    %dma_start3A_73 = arith.constant 1024 : i32
    %dma_start3A_74 = tpu.memref_slice %arg11[%dma_start3A_73] : memref<13312xf32, #tpu.memory_space<vmem>> -> memref<512xf32, #tpu.memory_space<vmem>>
    %dma_start3A_75 = tpu.memref_slice %arg20[%dma_start3A_72, %mul3A_71] : memref<26x8192xf32, #tpu.memory_space<vmem_shared>> -> memref<1x512xf32, #tpu.memory_space<vmem_shared>>
    %dma_start3A_76 = tpu.memref_squeeze %dma_start3A_75 : memref<1x512xf32, #tpu.memory_space<vmem_shared>> -> memref<512xf32, #tpu.memory_space<vmem_shared>>
    %dma_start3A_77 = arith.constant 1024 : i32
    %dma_start3A_78 = tpu.memref_slice %arg11[%dma_start3A_77] : memref<13312xf32, #tpu.memory_space<vmem>> -> memref<512xf32, #tpu.memory_space<vmem>>
    %dma_start3A_79 = tpu.memref_slice %arg20[%dma_start3A_72, %mul3A_71] : memref<26x8192xf32, #tpu.memory_space<vmem_shared>> -> memref<1x512xf32, #tpu.memory_space<vmem_shared>>
    %dma_start3A_80 = tpu.memref_squeeze %dma_start3A_79 : memref<1x512xf32, #tpu.memory_space<vmem_shared>> -> memref<512xf32, #tpu.memory_space<vmem_shared>>
    tpu.enqueue_dma source(%dma_start3A_80 : memref<512xf32, #tpu.memory_space<vmem_shared>>) target(%dma_start3A_78 : memref<512xf32, #tpu.memory_space<vmem>>) target_semaphore(%arg19 : memref<!tpu.dma_semaphore, #tpu.memory_space<semaphore_mem>>)
    %mul3A_81 = arith.constant 512 : i32
    %mul3A_82 = arith.muli %arg1, %mul3A_81 : i32
    %dma_start3A_83 = arith.constant 3 : i32
    %dma_start3A_84 = arith.constant 1536 : i32
    %dma_start3A_85 = tpu.memref_slice %arg11[%dma_start3A_84] : memref<13312xf32, #tpu.memory_space<vmem>> -> memref<512xf32, #tpu.memory_space<vmem>>
    %dma_start3A_86 = tpu.memref_slice %arg20[%dma_start3A_83, %mul3A_82] : memref<26x8192xf32, #tpu.memory_space<vmem_shared>> -> memref<1x512xf32, #tpu.memory_space<vmem_shared>>
    %dma_start3A_87 = tpu.memref_squeeze %dma_start3A_86 : memref<1x512xf32, #tpu.memory_space<vmem_shared>> -> memref<512xf32, #tpu.memory_space<vmem_shared>>
    %dma_start3A_88 = arith.constant 1536 : i32
    %dma_start3A_89 = tpu.memref_slice %arg11[%dma_start3A_88] : memref<13312xf32, #tpu.memory_space<vmem>> -> memref<512xf32, #tpu.memory_space<vmem>>
    %dma_start3A_90 = tpu.memref_slice %arg20[%dma_start3A_83, %mul3A_82] : memref<26x8192xf32, #tpu.memory_space<vmem_shared>> -> memref<1x512xf32, #tpu.memory_space<vmem_shared>>
    %dma_start3A_91 = tpu.memref_squeeze %dma_start3A_90 : memref<1x512xf32, #tpu.memory_space<vmem_shared>> -> memref<512xf32, #tpu.memory_space<vmem_shared>>
    tpu.enqueue_dma source(%dma_start3A_91 : memref<512xf32, #tpu.memory_space<vmem_shared>>) target(%dma_start3A_89 : memref<512xf32, #tpu.memory_space<vmem>>) target_semaphore(%arg19 : memref<!tpu.dma_semaphore, #tpu.memory_space<semaphore_mem>>)
    %mul3A_92 = arith.constant 512 : i32
    %mul3A_93 = arith.muli %arg1, %mul3A_92 : i32
    %dma_start3A_94 = arith.constant 4 : i32
    %dma_start3A_95 = arith.constant 2048 : i32
    %dma_start3A_96 = tpu.memref_slice %arg11[%dma_start3A_95] : memref<13312xf32, #tpu.memory_space<vmem>> -> memref<512xf32, #tpu.memory_space<vmem>>
    %dma_start3A_97 = tpu.memref_slice %arg20[%dma_start3A_94, %mul3A_93] : memref<26x8192xf32, #tpu.memory_space<vmem_shared>> -> memref<1x512xf32, #tpu.memory_space<vmem_shared>>
    %dma_start3A_98 = tpu.memref_squeeze %dma_start3A_97 : memref<1x512xf32, #tpu.memory_space<vmem_shared>> -> memref<512xf32, #tpu.memory_space<vmem_shared>>
    %dma_start3A_99 = arith.constant 2048 : i32
    %dma_start3A_100 = tpu.memref_slice %arg11[%dma_start3A_99] : memref<13312xf32, #tpu.memory_space<vmem>> -> memref<512xf32, #tpu.memory_space<vmem>>
    %dma_start3A_101 = tpu.memref_slice %arg20[%dma_start3A_94, %mul3A_93] : memref<26x8192xf32, #tpu.memory_space<vmem_shared>> -> memref<1x512xf32, #tpu.memory_space<vmem_shared>>
    %dma_start3A_102 = tpu.memref_squeeze %dma_start3A_101 : memref<1x512xf32, #tpu.memory_space<vmem_shared>> -> memref<512xf32, #tpu.memory_space<vmem_shared>>
    tpu.enqueue_dma source(%dma_start3A_102 : memref<512xf32, #tpu.memory_space<vmem_shared>>) target(%dma_start3A_100 : memref<512xf32, #tpu.memory_space<vmem>>) target_semaphore(%arg19 : memref<!tpu.dma_semaphore, #tpu.memory_space<semaphore_mem>>)
    %mul3A_103 = arith.constant 512 : i32
    %mul3A_104 = arith.muli %arg1, %mul3A_103 : i32
    %dma_start3A_105 = arith.constant 5 : i32
    %dma_start3A_106 = arith.constant 2560 : i32
    %dma_start3A_107 = tpu.memref_slice %arg11[%dma_start3A_106] : memref<13312xf32, #tpu.memory_space<vmem>> -> memref<512xf32, #tpu.memory_space<vmem>>
    %dma_start3A_108 = tpu.memref_slice %arg20[%dma_start3A_105, %mul3A_104] : memref<26x8192xf32, #tpu.memory_space<vmem_shared>> -> memref<1x512xf32, #tpu.memory_space<vmem_shared>>
    %dma_start3A_109 = tpu.memref_squeeze %dma_start3A_108 : memref<1x512xf32, #tpu.memory_space<vmem_shared>> -> memref<512xf32, #tpu.memory_space<vmem_shared>>
    %dma_start3A_110 = arith.constant 2560 : i32
    %dma_start3A_111 = tpu.memref_slice %arg11[%dma_start3A_110] : memref<13312xf32, #tpu.memory_space<vmem>> -> memref<512xf32, #tpu.memory_space<vmem>>
    %dma_start3A_112 = tpu.memref_slice %arg20[%dma_start3A_105, %mul3A_104] : memref<26x8192xf32, #tpu.memory_space<vmem_shared>> -> memref<1x512xf32, #tpu.memory_space<vmem_shared>>
    %dma_start3A_113 = tpu.memref_squeeze %dma_start3A_112 : memref<1x512xf32, #tpu.memory_space<vmem_shared>> -> memref<512xf32, #tpu.memory_space<vmem_shared>>
    tpu.enqueue_dma source(%dma_start3A_113 : memref<512xf32, #tpu.memory_space<vmem_shared>>) target(%dma_start3A_111 : memref<512xf32, #tpu.memory_space<vmem>>) target_semaphore(%arg19 : memref<!tpu.dma_semaphore, #tpu.memory_space<semaphore_mem>>)
    %mul3A_114 = arith.constant 512 : i32
    %mul3A_115 = arith.muli %arg1, %mul3A_114 : i32
    %dma_start3A_116 = arith.constant 6 : i32
    %dma_start3A_117 = arith.constant 3072 : i32
    %dma_start3A_118 = tpu.memref_slice %arg11[%dma_start3A_117] : memref<13312xf32, #tpu.memory_space<vmem>> -> memref<512xf32, #tpu.memory_space<vmem>>
    %dma_start3A_119 = tpu.memref_slice %arg20[%dma_start3A_116, %mul3A_115] : memref<26x8192xf32, #tpu.memory_space<vmem_shared>> -> memref<1x512xf32, #tpu.memory_space<vmem_shared>>
    %dma_start3A_120 = tpu.memref_squeeze %dma_start3A_119 : memref<1x512xf32, #tpu.memory_space<vmem_shared>> -> memref<512xf32, #tpu.memory_space<vmem_shared>>
    %dma_start3A_121 = arith.constant 3072 : i32
    %dma_start3A_122 = tpu.memref_slice %arg11[%dma_start3A_121] : memref<13312xf32, #tpu.memory_space<vmem>> -> memref<512xf32, #tpu.memory_space<vmem>>
    %dma_start3A_123 = tpu.memref_slice %arg20[%dma_start3A_116, %mul3A_115] : memref<26x8192xf32, #tpu.memory_space<vmem_shared>> -> memref<1x512xf32, #tpu.memory_space<vmem_shared>>
    %dma_start3A_124 = tpu.memref_squeeze %dma_start3A_123 : memref<1x512xf32, #tpu.memory_space<vmem_shared>> -> memref<512xf32, #tpu.memory_space<vmem_shared>>
    tpu.enqueue_dma source(%dma_start3A_124 : memref<512xf32, #tpu.memory_space<vmem_shared>>) target(%dma_start3A_122 : memref<512xf32, #tpu.memory_space<vmem>>) target_semaphore(%arg19 : memref<!tpu.dma_semaphore, #tpu.memory_space<semaphore_mem>>)
    %mul3A_125 = arith.constant 512 : i32
    %mul3A_126 = arith.muli %arg1, %mul3A_125 : i32
    %dma_start3A_127 = arith.constant 7 : i32
    %dma_start3A_128 = arith.constant 3584 : i32
    %dma_start3A_129 = tpu.memref_slice %arg11[%dma_start3A_128] : memref<13312xf32, #tpu.memory_space<vmem>> -> memref<512xf32, #tpu.memory_space<vmem>>
    %dma_start3A_130 = tpu.memref_slice %arg20[%dma_start3A_127, %mul3A_126] : memref<26x8192xf32, #tpu.memory_space<vmem_shared>> -> memref<1x512xf32, #tpu.memory_space<vmem_shared>>
    %dma_start3A_131 = tpu.memref_squeeze %dma_start3A_130 : memref<1x512xf32, #tpu.memory_space<vmem_shared>> -> memref<512xf32, #tpu.memory_space<vmem_shared>>
    %dma_start3A_132 = arith.constant 3584 : i32
    %dma_start3A_133 = tpu.memref_slice %arg11[%dma_start3A_132] : memref<13312xf32, #tpu.memory_space<vmem>> -> memref<512xf32, #tpu.memory_space<vmem>>
    %dma_start3A_134 = tpu.memref_slice %arg20[%dma_start3A_127, %mul3A_126] : memref<26x8192xf32, #tpu.memory_space<vmem_shared>> -> memref<1x512xf32, #tpu.memory_space<vmem_shared>>
    %dma_start3A_135 = tpu.memref_squeeze %dma_start3A_134 : memref<1x512xf32, #tpu.memory_space<vmem_shared>> -> memref<512xf32, #tpu.memory_space<vmem_shared>>
    tpu.enqueue_dma source(%dma_start3A_135 : memref<512xf32, #tpu.memory_space<vmem_shared>>) target(%dma_start3A_133 : memref<512xf32, #tpu.memory_space<vmem>>) target_semaphore(%arg19 : memref<!tpu.dma_semaphore, #tpu.memory_space<semaphore_mem>>)
    %mul3A_136 = arith.constant 512 : i32
    %mul3A_137 = arith.muli %arg1, %mul3A_136 : i32
    %dma_start3A_138 = arith.constant 8 : i32
    %dma_start3A_139 = arith.constant 4096 : i32
    %dma_start3A_140 = tpu.memref_slice %arg11[%dma_start3A_139] : memref<13312xf32, #tpu.memory_space<vmem>> -> memref<512xf32, #tpu.memory_space<vmem>>
    %dma_start3A_141 = tpu.memref_slice %arg20[%dma_start3A_138, %mul3A_137] : memref<26x8192xf32, #tpu.memory_space<vmem_shared>> -> memref<1x512xf32, #tpu.memory_space<vmem_shared>>
    %dma_start3A_142 = tpu.memref_squeeze %dma_start3A_141 : memref<1x512xf32, #tpu.memory_space<vmem_shared>> -> memref<512xf32, #tpu.memory_space<vmem_shared>>
    %dma_start3A_143 = arith.constant 4096 : i32
    %dma_start3A_144 = tpu.memref_slice %arg11[%dma_start3A_143] : memref<13312xf32, #tpu.memory_space<vmem>> -> memref<512xf32, #tpu.memory_space<vmem>>
    %dma_start3A_145 = tpu.memref_slice %arg20[%dma_start3A_138, %mul3A_137] : memref<26x8192xf32, #tpu.memory_space<vmem_shared>> -> memref<1x512xf32, #tpu.memory_space<vmem_shared>>
    %dma_start3A_146 = tpu.memref_squeeze %dma_start3A_145 : memref<1x512xf32, #tpu.memory_space<vmem_shared>> -> memref<512xf32, #tpu.memory_space<vmem_shared>>
    tpu.enqueue_dma source(%dma_start3A_146 : memref<512xf32, #tpu.memory_space<vmem_shared>>) target(%dma_start3A_144 : memref<512xf32, #tpu.memory_space<vmem>>) target_semaphore(%arg19 : memref<!tpu.dma_semaphore, #tpu.memory_space<semaphore_mem>>)
    %mul3A_147 = arith.constant 512 : i32
    %mul3A_148 = arith.muli %arg1, %mul3A_147 : i32
    %dma_start3A_149 = arith.constant 9 : i32
    %dma_start3A_150 = arith.constant 4608 : i32
    %dma_start3A_151 = tpu.memref_slice %arg11[%dma_start3A_150] : memref<13312xf32, #tpu.memory_space<vmem>> -> memref<512xf32, #tpu.memory_space<vmem>>
    %dma_start3A_152 = tpu.memref_slice %arg20[%dma_start3A_149, %mul3A_148] : memref<26x8192xf32, #tpu.memory_space<vmem_shared>> -> memref<1x512xf32, #tpu.memory_space<vmem_shared>>
    %dma_start3A_153 = tpu.memref_squeeze %dma_start3A_152 : memref<1x512xf32, #tpu.memory_space<vmem_shared>> -> memref<512xf32, #tpu.memory_space<vmem_shared>>
    %dma_start3A_154 = arith.constant 4608 : i32
    %dma_start3A_155 = tpu.memref_slice %arg11[%dma_start3A_154] : memref<13312xf32, #tpu.memory_space<vmem>> -> memref<512xf32, #tpu.memory_space<vmem>>
    %dma_start3A_156 = tpu.memref_slice %arg20[%dma_start3A_149, %mul3A_148] : memref<26x8192xf32, #tpu.memory_space<vmem_shared>> -> memref<1x512xf32, #tpu.memory_space<vmem_shared>>
    %dma_start3A_157 = tpu.memref_squeeze %dma_start3A_156 : memref<1x512xf32, #tpu.memory_space<vmem_shared>> -> memref<512xf32, #tpu.memory_space<vmem_shared>>
    tpu.enqueue_dma source(%dma_start3A_157 : memref<512xf32, #tpu.memory_space<vmem_shared>>) target(%dma_start3A_155 : memref<512xf32, #tpu.memory_space<vmem>>) target_semaphore(%arg19 : memref<!tpu.dma_semaphore, #tpu.memory_space<semaphore_mem>>)
    %mul3A_158 = arith.constant 512 : i32
    %mul3A_159 = arith.muli %arg1, %mul3A_158 : i32
    %dma_start3A_160 = arith.constant 10 : i32
    %dma_start3A_161 = arith.constant 5120 : i32
    %dma_start3A_162 = tpu.memref_slice %arg11[%dma_start3A_161] : memref<13312xf32, #tpu.memory_space<vmem>> -> memref<512xf32, #tpu.memory_space<vmem>>
    %dma_start3A_163 = tpu.memref_slice %arg20[%dma_start3A_160, %mul3A_159] : memref<26x8192xf32, #tpu.memory_space<vmem_shared>> -> memref<1x512xf32, #tpu.memory_space<vmem_shared>>
    %dma_start3A_164 = tpu.memref_squeeze %dma_start3A_163 : memref<1x512xf32, #tpu.memory_space<vmem_shared>> -> memref<512xf32, #tpu.memory_space<vmem_shared>>
    %dma_start3A_165 = arith.constant 5120 : i32
    %dma_start3A_166 = tpu.memref_slice %arg11[%dma_start3A_165] : memref<13312xf32, #tpu.memory_space<vmem>> -> memref<512xf32, #tpu.memory_space<vmem>>
    %dma_start3A_167 = tpu.memref_slice %arg20[%dma_start3A_160, %mul3A_159] : memref<26x8192xf32, #tpu.memory_space<vmem_shared>> -> memref<1x512xf32, #tpu.memory_space<vmem_shared>>
    %dma_start3A_168 = tpu.memref_squeeze %dma_start3A_167 : memref<1x512xf32, #tpu.memory_space<vmem_shared>> -> memref<512xf32, #tpu.memory_space<vmem_shared>>
    tpu.enqueue_dma source(%dma_start3A_168 : memref<512xf32, #tpu.memory_space<vmem_shared>>) target(%dma_start3A_166 : memref<512xf32, #tpu.memory_space<vmem>>) target_semaphore(%arg19 : memref<!tpu.dma_semaphore, #tpu.memory_space<semaphore_mem>>)
    %mul3A_169 = arith.constant 512 : i32
    %mul3A_170 = arith.muli %arg1, %mul3A_169 : i32
    %dma_start3A_171 = arith.constant 11 : i32
    %dma_start3A_172 = arith.constant 5632 : i32
    %dma_start3A_173 = tpu.memref_slice %arg11[%dma_start3A_172] : memref<13312xf32, #tpu.memory_space<vmem>> -> memref<512xf32, #tpu.memory_space<vmem>>
    %dma_start3A_174 = tpu.memref_slice %arg20[%dma_start3A_171, %mul3A_170] : memref<26x8192xf32, #tpu.memory_space<vmem_shared>> -> memref<1x512xf32, #tpu.memory_space<vmem_shared>>
    %dma_start3A_175 = tpu.memref_squeeze %dma_start3A_174 : memref<1x512xf32, #tpu.memory_space<vmem_shared>> -> memref<512xf32, #tpu.memory_space<vmem_shared>>
    %dma_start3A_176 = arith.constant 5632 : i32
    %dma_start3A_177 = tpu.memref_slice %arg11[%dma_start3A_176] : memref<13312xf32, #tpu.memory_space<vmem>> -> memref<512xf32, #tpu.memory_space<vmem>>
    %dma_start3A_178 = tpu.memref_slice %arg20[%dma_start3A_171, %mul3A_170] : memref<26x8192xf32, #tpu.memory_space<vmem_shared>> -> memref<1x512xf32, #tpu.memory_space<vmem_shared>>
    %dma_start3A_179 = tpu.memref_squeeze %dma_start3A_178 : memref<1x512xf32, #tpu.memory_space<vmem_shared>> -> memref<512xf32, #tpu.memory_space<vmem_shared>>
    tpu.enqueue_dma source(%dma_start3A_179 : memref<512xf32, #tpu.memory_space<vmem_shared>>) target(%dma_start3A_177 : memref<512xf32, #tpu.memory_space<vmem>>) target_semaphore(%arg19 : memref<!tpu.dma_semaphore, #tpu.memory_space<semaphore_mem>>)
    %mul3A_180 = arith.constant 512 : i32
    %mul3A_181 = arith.muli %arg1, %mul3A_180 : i32
    %dma_start3A_182 = arith.constant 12 : i32
    %dma_start3A_183 = arith.constant 6144 : i32
    %dma_start3A_184 = tpu.memref_slice %arg11[%dma_start3A_183] : memref<13312xf32, #tpu.memory_space<vmem>> -> memref<512xf32, #tpu.memory_space<vmem>>
    %dma_start3A_185 = tpu.memref_slice %arg20[%dma_start3A_182, %mul3A_181] : memref<26x8192xf32, #tpu.memory_space<vmem_shared>> -> memref<1x512xf32, #tpu.memory_space<vmem_shared>>
    %dma_start3A_186 = tpu.memref_squeeze %dma_start3A_185 : memref<1x512xf32, #tpu.memory_space<vmem_shared>> -> memref<512xf32, #tpu.memory_space<vmem_shared>>
    %dma_start3A_187 = arith.constant 6144 : i32
    %dma_start3A_188 = tpu.memref_slice %arg11[%dma_start3A_187] : memref<13312xf32, #tpu.memory_space<vmem>> -> memref<512xf32, #tpu.memory_space<vmem>>
    %dma_start3A_189 = tpu.memref_slice %arg20[%dma_start3A_182, %mul3A_181] : memref<26x8192xf32, #tpu.memory_space<vmem_shared>> -> memref<1x512xf32, #tpu.memory_space<vmem_shared>>
    %dma_start3A_190 = tpu.memref_squeeze %dma_start3A_189 : memref<1x512xf32, #tpu.memory_space<vmem_shared>> -> memref<512xf32, #tpu.memory_space<vmem_shared>>
    tpu.enqueue_dma source(%dma_start3A_190 : memref<512xf32, #tpu.memory_space<vmem_shared>>) target(%dma_start3A_188 : memref<512xf32, #tpu.memory_space<vmem>>) target_semaphore(%arg19 : memref<!tpu.dma_semaphore, #tpu.memory_space<semaphore_mem>>)
    %mul3A_191 = arith.constant 512 : i32
    %mul3A_192 = arith.muli %arg1, %mul3A_191 : i32
    %dma_start3A_193 = arith.constant 13 : i32
    %dma_start3A_194 = arith.constant 6656 : i32
    %dma_start3A_195 = tpu.memref_slice %arg11[%dma_start3A_194] : memref<13312xf32, #tpu.memory_space<vmem>> -> memref<512xf32, #tpu.memory_space<vmem>>
    %dma_start3A_196 = tpu.memref_slice %arg20[%dma_start3A_193, %mul3A_192] : memref<26x8192xf32, #tpu.memory_space<vmem_shared>> -> memref<1x512xf32, #tpu.memory_space<vmem_shared>>
    %dma_start3A_197 = tpu.memref_squeeze %dma_start3A_196 : memref<1x512xf32, #tpu.memory_space<vmem_shared>> -> memref<512xf32, #tpu.memory_space<vmem_shared>>
    %dma_start3A_198 = arith.constant 6656 : i32
    %dma_start3A_199 = tpu.memref_slice %arg11[%dma_start3A_198] : memref<13312xf32, #tpu.memory_space<vmem>> -> memref<512xf32, #tpu.memory_space<vmem>>
    %dma_start3A_200 = tpu.memref_slice %arg20[%dma_start3A_193, %mul3A_192] : memref<26x8192xf32, #tpu.memory_space<vmem_shared>> -> memref<1x512xf32, #tpu.memory_space<vmem_shared>>
    %dma_start3A_201 = tpu.memref_squeeze %dma_start3A_200 : memref<1x512xf32, #tpu.memory_space<vmem_shared>> -> memref<512xf32, #tpu.memory_space<vmem_shared>>
    tpu.enqueue_dma source(%dma_start3A_201 : memref<512xf32, #tpu.memory_space<vmem_shared>>) target(%dma_start3A_199 : memref<512xf32, #tpu.memory_space<vmem>>) target_semaphore(%arg19 : memref<!tpu.dma_semaphore, #tpu.memory_space<semaphore_mem>>)
    %mul3A_202 = arith.constant 512 : i32
    %mul3A_203 = arith.muli %arg1, %mul3A_202 : i32
    %dma_start3A_204 = arith.constant 14 : i32
    %dma_start3A_205 = arith.constant 7168 : i32
    %dma_start3A_206 = tpu.memref_slice %arg11[%dma_start3A_205] : memref<13312xf32, #tpu.memory_space<vmem>> -> memref<512xf32, #tpu.memory_space<vmem>>
    %dma_start3A_207 = tpu.memref_slice %arg20[%dma_start3A_204, %mul3A_203] : memref<26x8192xf32, #tpu.memory_space<vmem_shared>> -> memref<1x512xf32, #tpu.memory_space<vmem_shared>>
    %dma_start3A_208 = tpu.memref_squeeze %dma_start3A_207 : memref<1x512xf32, #tpu.memory_space<vmem_shared>> -> memref<512xf32, #tpu.memory_space<vmem_shared>>
    %dma_start3A_209 = arith.constant 7168 : i32
    %dma_start3A_210 = tpu.memref_slice %arg11[%dma_start3A_209] : memref<13312xf32, #tpu.memory_space<vmem>> -> memref<512xf32, #tpu.memory_space<vmem>>
    %dma_start3A_211 = tpu.memref_slice %arg20[%dma_start3A_204, %mul3A_203] : memref<26x8192xf32, #tpu.memory_space<vmem_shared>> -> memref<1x512xf32, #tpu.memory_space<vmem_shared>>
    %dma_start3A_212 = tpu.memref_squeeze %dma_start3A_211 : memref<1x512xf32, #tpu.memory_space<vmem_shared>> -> memref<512xf32, #tpu.memory_space<vmem_shared>>
    tpu.enqueue_dma source(%dma_start3A_212 : memref<512xf32, #tpu.memory_space<vmem_shared>>) target(%dma_start3A_210 : memref<512xf32, #tpu.memory_space<vmem>>) target_semaphore(%arg19 : memref<!tpu.dma_semaphore, #tpu.memory_space<semaphore_mem>>)
    %mul3A_213 = arith.constant 512 : i32
    %mul3A_214 = arith.muli %arg1, %mul3A_213 : i32
    %dma_start3A_215 = arith.constant 15 : i32
    %dma_start3A_216 = arith.constant 7680 : i32
    %dma_start3A_217 = tpu.memref_slice %arg11[%dma_start3A_216] : memref<13312xf32, #tpu.memory_space<vmem>> -> memref<512xf32, #tpu.memory_space<vmem>>
    %dma_start3A_218 = tpu.memref_slice %arg20[%dma_start3A_215, %mul3A_214] : memref<26x8192xf32, #tpu.memory_space<vmem_shared>> -> memref<1x512xf32, #tpu.memory_space<vmem_shared>>
    %dma_start3A_219 = tpu.memref_squeeze %dma_start3A_218 : memref<1x512xf32, #tpu.memory_space<vmem_shared>> -> memref<512xf32, #tpu.memory_space<vmem_shared>>
    %dma_start3A_220 = arith.constant 7680 : i32
    %dma_start3A_221 = tpu.memref_slice %arg11[%dma_start3A_220] : memref<13312xf32, #tpu.memory_space<vmem>> -> memref<512xf32, #tpu.memory_space<vmem>>
    %dma_start3A_222 = tpu.memref_slice %arg20[%dma_start3A_215, %mul3A_214] : memref<26x8192xf32, #tpu.memory_space<vmem_shared>> -> memref<1x512xf32, #tpu.memory_space<vmem_shared>>
    %dma_start3A_223 = tpu.memref_squeeze %dma_start3A_222 : memref<1x512xf32, #tpu.memory_space<vmem_shared>> -> memref<512xf32, #tpu.memory_space<vmem_shared>>
    tpu.enqueue_dma source(%dma_start3A_223 : memref<512xf32, #tpu.memory_space<vmem_shared>>) target(%dma_start3A_221 : memref<512xf32, #tpu.memory_space<vmem>>) target_semaphore(%arg19 : memref<!tpu.dma_semaphore, #tpu.memory_space<semaphore_mem>>)
    %mul3A_224 = arith.constant 512 : i32
    %mul3A_225 = arith.muli %arg1, %mul3A_224 : i32
    %dma_start3A_226 = arith.constant 16 : i32
    %dma_start3A_227 = arith.constant 8192 : i32
    %dma_start3A_228 = tpu.memref_slice %arg11[%dma_start3A_227] : memref<13312xf32, #tpu.memory_space<vmem>> -> memref<512xf32, #tpu.memory_space<vmem>>
    %dma_start3A_229 = tpu.memref_slice %arg20[%dma_start3A_226, %mul3A_225] : memref<26x8192xf32, #tpu.memory_space<vmem_shared>> -> memref<1x512xf32, #tpu.memory_space<vmem_shared>>
    %dma_start3A_230 = tpu.memref_squeeze %dma_start3A_229 : memref<1x512xf32, #tpu.memory_space<vmem_shared>> -> memref<512xf32, #tpu.memory_space<vmem_shared>>
    %dma_start3A_231 = arith.constant 8192 : i32
    %dma_start3A_232 = tpu.memref_slice %arg11[%dma_start3A_231] : memref<13312xf32, #tpu.memory_space<vmem>> -> memref<512xf32, #tpu.memory_space<vmem>>
    %dma_start3A_233 = tpu.memref_slice %arg20[%dma_start3A_226, %mul3A_225] : memref<26x8192xf32, #tpu.memory_space<vmem_shared>> -> memref<1x512xf32, #tpu.memory_space<vmem_shared>>
    %dma_start3A_234 = tpu.memref_squeeze %dma_start3A_233 : memref<1x512xf32, #tpu.memory_space<vmem_shared>> -> memref<512xf32, #tpu.memory_space<vmem_shared>>
    tpu.enqueue_dma source(%dma_start3A_234 : memref<512xf32, #tpu.memory_space<vmem_shared>>) target(%dma_start3A_232 : memref<512xf32, #tpu.memory_space<vmem>>) target_semaphore(%arg19 : memref<!tpu.dma_semaphore, #tpu.memory_space<semaphore_mem>>)
    %mul3A_235 = arith.constant 512 : i32
    %mul3A_236 = arith.muli %arg1, %mul3A_235 : i32
    %dma_start3A_237 = arith.constant 17 : i32
    %dma_start3A_238 = arith.constant 8704 : i32
    %dma_start3A_239 = tpu.memref_slice %arg11[%dma_start3A_238] : memref<13312xf32, #tpu.memory_space<vmem>> -> memref<512xf32, #tpu.memory_space<vmem>>
    %dma_start3A_240 = tpu.memref_slice %arg20[%dma_start3A_237, %mul3A_236] : memref<26x8192xf32, #tpu.memory_space<vmem_shared>> -> memref<1x512xf32, #tpu.memory_space<vmem_shared>>
    %dma_start3A_241 = tpu.memref_squeeze %dma_start3A_240 : memref<1x512xf32, #tpu.memory_space<vmem_shared>> -> memref<512xf32, #tpu.memory_space<vmem_shared>>
    %dma_start3A_242 = arith.constant 8704 : i32
    %dma_start3A_243 = tpu.memref_slice %arg11[%dma_start3A_242] : memref<13312xf32, #tpu.memory_space<vmem>> -> memref<512xf32, #tpu.memory_space<vmem>>
    %dma_start3A_244 = tpu.memref_slice %arg20[%dma_start3A_237, %mul3A_236] : memref<26x8192xf32, #tpu.memory_space<vmem_shared>> -> memref<1x512xf32, #tpu.memory_space<vmem_shared>>
    %dma_start3A_245 = tpu.memref_squeeze %dma_start3A_244 : memref<1x512xf32, #tpu.memory_space<vmem_shared>> -> memref<512xf32, #tpu.memory_space<vmem_shared>>
    tpu.enqueue_dma source(%dma_start3A_245 : memref<512xf32, #tpu.memory_space<vmem_shared>>) target(%dma_start3A_243 : memref<512xf32, #tpu.memory_space<vmem>>) target_semaphore(%arg19 : memref<!tpu.dma_semaphore, #tpu.memory_space<semaphore_mem>>)
    %mul3A_246 = arith.constant 512 : i32
    %mul3A_247 = arith.muli %arg1, %mul3A_246 : i32
    %dma_start3A_248 = arith.constant 18 : i32
    %dma_start3A_249 = arith.constant 9216 : i32
    %dma_start3A_250 = tpu.memref_slice %arg11[%dma_start3A_249] : memref<13312xf32, #tpu.memory_space<vmem>> -> memref<512xf32, #tpu.memory_space<vmem>>
    %dma_start3A_251 = tpu.memref_slice %arg20[%dma_start3A_248, %mul3A_247] : memref<26x8192xf32, #tpu.memory_space<vmem_shared>> -> memref<1x512xf32, #tpu.memory_space<vmem_shared>>
    %dma_start3A_252 = tpu.memref_squeeze %dma_start3A_251 : memref<1x512xf32, #tpu.memory_space<vmem_shared>> -> memref<512xf32, #tpu.memory_space<vmem_shared>>
    %dma_start3A_253 = arith.constant 9216 : i32
    %dma_start3A_254 = tpu.memref_slice %arg11[%dma_start3A_253] : memref<13312xf32, #tpu.memory_space<vmem>> -> memref<512xf32, #tpu.memory_space<vmem>>
    %dma_start3A_255 = tpu.memref_slice %arg20[%dma_start3A_248, %mul3A_247] : memref<26x8192xf32, #tpu.memory_space<vmem_shared>> -> memref<1x512xf32, #tpu.memory_space<vmem_shared>>
    %dma_start3A_256 = tpu.memref_squeeze %dma_start3A_255 : memref<1x512xf32, #tpu.memory_space<vmem_shared>> -> memref<512xf32, #tpu.memory_space<vmem_shared>>
    tpu.enqueue_dma source(%dma_start3A_256 : memref<512xf32, #tpu.memory_space<vmem_shared>>) target(%dma_start3A_254 : memref<512xf32, #tpu.memory_space<vmem>>) target_semaphore(%arg19 : memref<!tpu.dma_semaphore, #tpu.memory_space<semaphore_mem>>)
    %mul3A_257 = arith.constant 512 : i32
    %mul3A_258 = arith.muli %arg1, %mul3A_257 : i32
    %dma_start3A_259 = arith.constant 19 : i32
    %dma_start3A_260 = arith.constant 9728 : i32
    %dma_start3A_261 = tpu.memref_slice %arg11[%dma_start3A_260] : memref<13312xf32, #tpu.memory_space<vmem>> -> memref<512xf32, #tpu.memory_space<vmem>>
    %dma_start3A_262 = tpu.memref_slice %arg20[%dma_start3A_259, %mul3A_258] : memref<26x8192xf32, #tpu.memory_space<vmem_shared>> -> memref<1x512xf32, #tpu.memory_space<vmem_shared>>
    %dma_start3A_263 = tpu.memref_squeeze %dma_start3A_262 : memref<1x512xf32, #tpu.memory_space<vmem_shared>> -> memref<512xf32, #tpu.memory_space<vmem_shared>>
    %dma_start3A_264 = arith.constant 9728 : i32
    %dma_start3A_265 = tpu.memref_slice %arg11[%dma_start3A_264] : memref<13312xf32, #tpu.memory_space<vmem>> -> memref<512xf32, #tpu.memory_space<vmem>>
    %dma_start3A_266 = tpu.memref_slice %arg20[%dma_start3A_259, %mul3A_258] : memref<26x8192xf32, #tpu.memory_space<vmem_shared>> -> memref<1x512xf32, #tpu.memory_space<vmem_shared>>
    %dma_start3A_267 = tpu.memref_squeeze %dma_start3A_266 : memref<1x512xf32, #tpu.memory_space<vmem_shared>> -> memref<512xf32, #tpu.memory_space<vmem_shared>>
    tpu.enqueue_dma source(%dma_start3A_267 : memref<512xf32, #tpu.memory_space<vmem_shared>>) target(%dma_start3A_265 : memref<512xf32, #tpu.memory_space<vmem>>) target_semaphore(%arg19 : memref<!tpu.dma_semaphore, #tpu.memory_space<semaphore_mem>>)
    %mul3A_268 = arith.constant 512 : i32
    %mul3A_269 = arith.muli %arg1, %mul3A_268 : i32
    %dma_start3A_270 = arith.constant 20 : i32
    %dma_start3A_271 = arith.constant 10240 : i32
    %dma_start3A_272 = tpu.memref_slice %arg11[%dma_start3A_271] : memref<13312xf32, #tpu.memory_space<vmem>> -> memref<512xf32, #tpu.memory_space<vmem>>
    %dma_start3A_273 = tpu.memref_slice %arg20[%dma_start3A_270, %mul3A_269] : memref<26x8192xf32, #tpu.memory_space<vmem_shared>> -> memref<1x512xf32, #tpu.memory_space<vmem_shared>>
    %dma_start3A_274 = tpu.memref_squeeze %dma_start3A_273 : memref<1x512xf32, #tpu.memory_space<vmem_shared>> -> memref<512xf32, #tpu.memory_space<vmem_shared>>
    %dma_start3A_275 = arith.constant 10240 : i32
    %dma_start3A_276 = tpu.memref_slice %arg11[%dma_start3A_275] : memref<13312xf32, #tpu.memory_space<vmem>> -> memref<512xf32, #tpu.memory_space<vmem>>
    %dma_start3A_277 = tpu.memref_slice %arg20[%dma_start3A_270, %mul3A_269] : memref<26x8192xf32, #tpu.memory_space<vmem_shared>> -> memref<1x512xf32, #tpu.memory_space<vmem_shared>>
    %dma_start3A_278 = tpu.memref_squeeze %dma_start3A_277 : memref<1x512xf32, #tpu.memory_space<vmem_shared>> -> memref<512xf32, #tpu.memory_space<vmem_shared>>
    tpu.enqueue_dma source(%dma_start3A_278 : memref<512xf32, #tpu.memory_space<vmem_shared>>) target(%dma_start3A_276 : memref<512xf32, #tpu.memory_space<vmem>>) target_semaphore(%arg19 : memref<!tpu.dma_semaphore, #tpu.memory_space<semaphore_mem>>)
    %mul3A_279 = arith.constant 512 : i32
    %mul3A_280 = arith.muli %arg1, %mul3A_279 : i32
    %dma_start3A_281 = arith.constant 21 : i32
    %dma_start3A_282 = arith.constant 10752 : i32
    %dma_start3A_283 = tpu.memref_slice %arg11[%dma_start3A_282] : memref<13312xf32, #tpu.memory_space<vmem>> -> memref<512xf32, #tpu.memory_space<vmem>>
    %dma_start3A_284 = tpu.memref_slice %arg20[%dma_start3A_281, %mul3A_280] : memref<26x8192xf32, #tpu.memory_space<vmem_shared>> -> memref<1x512xf32, #tpu.memory_space<vmem_shared>>
    %dma_start3A_285 = tpu.memref_squeeze %dma_start3A_284 : memref<1x512xf32, #tpu.memory_space<vmem_shared>> -> memref<512xf32, #tpu.memory_space<vmem_shared>>
    %dma_start3A_286 = arith.constant 10752 : i32
    %dma_start3A_287 = tpu.memref_slice %arg11[%dma_start3A_286] : memref<13312xf32, #tpu.memory_space<vmem>> -> memref<512xf32, #tpu.memory_space<vmem>>
    %dma_start3A_288 = tpu.memref_slice %arg20[%dma_start3A_281, %mul3A_280] : memref<26x8192xf32, #tpu.memory_space<vmem_shared>> -> memref<1x512xf32, #tpu.memory_space<vmem_shared>>
    %dma_start3A_289 = tpu.memref_squeeze %dma_start3A_288 : memref<1x512xf32, #tpu.memory_space<vmem_shared>> -> memref<512xf32, #tpu.memory_space<vmem_shared>>
    tpu.enqueue_dma source(%dma_start3A_289 : memref<512xf32, #tpu.memory_space<vmem_shared>>) target(%dma_start3A_287 : memref<512xf32, #tpu.memory_space<vmem>>) target_semaphore(%arg19 : memref<!tpu.dma_semaphore, #tpu.memory_space<semaphore_mem>>)
    %mul3A_290 = arith.constant 512 : i32
    %mul3A_291 = arith.muli %arg1, %mul3A_290 : i32
    %dma_start3A_292 = arith.constant 22 : i32
    %dma_start3A_293 = arith.constant 11264 : i32
    %dma_start3A_294 = tpu.memref_slice %arg11[%dma_start3A_293] : memref<13312xf32, #tpu.memory_space<vmem>> -> memref<512xf32, #tpu.memory_space<vmem>>
    %dma_start3A_295 = tpu.memref_slice %arg20[%dma_start3A_292, %mul3A_291] : memref<26x8192xf32, #tpu.memory_space<vmem_shared>> -> memref<1x512xf32, #tpu.memory_space<vmem_shared>>
    %dma_start3A_296 = tpu.memref_squeeze %dma_start3A_295 : memref<1x512xf32, #tpu.memory_space<vmem_shared>> -> memref<512xf32, #tpu.memory_space<vmem_shared>>
    %dma_start3A_297 = arith.constant 11264 : i32
    %dma_start3A_298 = tpu.memref_slice %arg11[%dma_start3A_297] : memref<13312xf32, #tpu.memory_space<vmem>> -> memref<512xf32, #tpu.memory_space<vmem>>
    %dma_start3A_299 = tpu.memref_slice %arg20[%dma_start3A_292, %mul3A_291] : memref<26x8192xf32, #tpu.memory_space<vmem_shared>> -> memref<1x512xf32, #tpu.memory_space<vmem_shared>>
    %dma_start3A_300 = tpu.memref_squeeze %dma_start3A_299 : memref<1x512xf32, #tpu.memory_space<vmem_shared>> -> memref<512xf32, #tpu.memory_space<vmem_shared>>
    tpu.enqueue_dma source(%dma_start3A_300 : memref<512xf32, #tpu.memory_space<vmem_shared>>) target(%dma_start3A_298 : memref<512xf32, #tpu.memory_space<vmem>>) target_semaphore(%arg19 : memref<!tpu.dma_semaphore, #tpu.memory_space<semaphore_mem>>)
    %mul3A_301 = arith.constant 512 : i32
    %mul3A_302 = arith.muli %arg1, %mul3A_301 : i32
    %dma_start3A_303 = arith.constant 23 : i32
    %dma_start3A_304 = arith.constant 11776 : i32
    %dma_start3A_305 = tpu.memref_slice %arg11[%dma_start3A_304] : memref<13312xf32, #tpu.memory_space<vmem>> -> memref<512xf32, #tpu.memory_space<vmem>>
    %dma_start3A_306 = tpu.memref_slice %arg20[%dma_start3A_303, %mul3A_302] : memref<26x8192xf32, #tpu.memory_space<vmem_shared>> -> memref<1x512xf32, #tpu.memory_space<vmem_shared>>
    %dma_start3A_307 = tpu.memref_squeeze %dma_start3A_306 : memref<1x512xf32, #tpu.memory_space<vmem_shared>> -> memref<512xf32, #tpu.memory_space<vmem_shared>>
    %dma_start3A_308 = arith.constant 11776 : i32
    %dma_start3A_309 = tpu.memref_slice %arg11[%dma_start3A_308] : memref<13312xf32, #tpu.memory_space<vmem>> -> memref<512xf32, #tpu.memory_space<vmem>>
    %dma_start3A_310 = tpu.memref_slice %arg20[%dma_start3A_303, %mul3A_302] : memref<26x8192xf32, #tpu.memory_space<vmem_shared>> -> memref<1x512xf32, #tpu.memory_space<vmem_shared>>
    %dma_start3A_311 = tpu.memref_squeeze %dma_start3A_310 : memref<1x512xf32, #tpu.memory_space<vmem_shared>> -> memref<512xf32, #tpu.memory_space<vmem_shared>>
    tpu.enqueue_dma source(%dma_start3A_311 : memref<512xf32, #tpu.memory_space<vmem_shared>>) target(%dma_start3A_309 : memref<512xf32, #tpu.memory_space<vmem>>) target_semaphore(%arg19 : memref<!tpu.dma_semaphore, #tpu.memory_space<semaphore_mem>>)
    %mul3A_312 = arith.constant 512 : i32
    %mul3A_313 = arith.muli %arg1, %mul3A_312 : i32
    %dma_start3A_314 = arith.constant 24 : i32
    %dma_start3A_315 = arith.constant 12288 : i32
    %dma_start3A_316 = tpu.memref_slice %arg11[%dma_start3A_315] : memref<13312xf32, #tpu.memory_space<vmem>> -> memref<512xf32, #tpu.memory_space<vmem>>
    %dma_start3A_317 = tpu.memref_slice %arg20[%dma_start3A_314, %mul3A_313] : memref<26x8192xf32, #tpu.memory_space<vmem_shared>> -> memref<1x512xf32, #tpu.memory_space<vmem_shared>>
    %dma_start3A_318 = tpu.memref_squeeze %dma_start3A_317 : memref<1x512xf32, #tpu.memory_space<vmem_shared>> -> memref<512xf32, #tpu.memory_space<vmem_shared>>
    %dma_start3A_319 = arith.constant 12288 : i32
    %dma_start3A_320 = tpu.memref_slice %arg11[%dma_start3A_319] : memref<13312xf32, #tpu.memory_space<vmem>> -> memref<512xf32, #tpu.memory_space<vmem>>
    %dma_start3A_321 = tpu.memref_slice %arg20[%dma_start3A_314, %mul3A_313] : memref<26x8192xf32, #tpu.memory_space<vmem_shared>> -> memref<1x512xf32, #tpu.memory_space<vmem_shared>>
    %dma_start3A_322 = tpu.memref_squeeze %dma_start3A_321 : memref<1x512xf32, #tpu.memory_space<vmem_shared>> -> memref<512xf32, #tpu.memory_space<vmem_shared>>
    tpu.enqueue_dma source(%dma_start3A_322 : memref<512xf32, #tpu.memory_space<vmem_shared>>) target(%dma_start3A_320 : memref<512xf32, #tpu.memory_space<vmem>>) target_semaphore(%arg19 : memref<!tpu.dma_semaphore, #tpu.memory_space<semaphore_mem>>)
    %mul3A_323 = arith.constant 512 : i32
    %mul3A_324 = arith.muli %arg1, %mul3A_323 : i32
    %dma_start3A_325 = arith.constant 25 : i32
    %dma_start3A_326 = arith.constant 12800 : i32
    %dma_start3A_327 = tpu.memref_slice %arg11[%dma_start3A_326] : memref<13312xf32, #tpu.memory_space<vmem>> -> memref<512xf32, #tpu.memory_space<vmem>>
    %dma_start3A_328 = tpu.memref_slice %arg20[%dma_start3A_325, %mul3A_324] : memref<26x8192xf32, #tpu.memory_space<vmem_shared>> -> memref<1x512xf32, #tpu.memory_space<vmem_shared>>
    %dma_start3A_329 = tpu.memref_squeeze %dma_start3A_328 : memref<1x512xf32, #tpu.memory_space<vmem_shared>> -> memref<512xf32, #tpu.memory_space<vmem_shared>>
    %dma_start3A_330 = arith.constant 12800 : i32
    %dma_start3A_331 = tpu.memref_slice %arg11[%dma_start3A_330] : memref<13312xf32, #tpu.memory_space<vmem>> -> memref<512xf32, #tpu.memory_space<vmem>>
    %dma_start3A_332 = tpu.memref_slice %arg20[%dma_start3A_325, %mul3A_324] : memref<26x8192xf32, #tpu.memory_space<vmem_shared>> -> memref<1x512xf32, #tpu.memory_space<vmem_shared>>
    %dma_start3A_333 = tpu.memref_squeeze %dma_start3A_332 : memref<1x512xf32, #tpu.memory_space<vmem_shared>> -> memref<512xf32, #tpu.memory_space<vmem_shared>>
    tpu.enqueue_dma source(%dma_start3A_333 : memref<512xf32, #tpu.memory_space<vmem_shared>>) target(%dma_start3A_331 : memref<512xf32, #tpu.memory_space<vmem>>) target_semaphore(%arg19 : memref<!tpu.dma_semaphore, #tpu.memory_space<semaphore_mem>>)
    %dma_wait3A_334 = arith.constant 0 : i32
    %dma_wait3A_335 = arith.constant 0 : i32
    %dma_wait3A_336 = tpu.memref_slice %arg11[%dma_wait3A_335] : memref<13312xf32, #tpu.memory_space<vmem>> -> memref<512xf32, #tpu.memory_space<vmem>>
    %dma_wait3A_337 = tpu.memref_slice %arg20[%dma_wait3A_334, %mul3A_49] : memref<26x8192xf32, #tpu.memory_space<vmem_shared>> -> memref<1x512xf32, #tpu.memory_space<vmem_shared>>
    %dma_wait3A_338 = tpu.memref_squeeze %dma_wait3A_337 : memref<1x512xf32, #tpu.memory_space<vmem_shared>> -> memref<512xf32, #tpu.memory_space<vmem_shared>>
    %dma_wait3A_339 = arith.constant 0 : i32
    %dma_wait3A_340 = tpu.memref_slice %arg11[%dma_wait3A_339] : memref<13312xf32, #tpu.memory_space<vmem>> -> memref<512xf32, #tpu.memory_space<vmem>>
    %dma_wait3A_341 = tpu.memref_slice %arg20[%dma_wait3A_334, %mul3A_49] : memref<26x8192xf32, #tpu.memory_space<vmem_shared>> -> memref<1x512xf32, #tpu.memory_space<vmem_shared>>
    %dma_wait3A_342 = tpu.memref_squeeze %dma_wait3A_341 : memref<1x512xf32, #tpu.memory_space<vmem_shared>> -> memref<512xf32, #tpu.memory_space<vmem_shared>>
    tpu.wait_dma2 semaphore(%arg19 : memref<!tpu.dma_semaphore, #tpu.memory_space<semaphore_mem>>) src(%dma_wait3A_342 : memref<512xf32, #tpu.memory_space<vmem_shared>>) dst(%dma_wait3A_340 : memref<512xf32, #tpu.memory_space<vmem>>)
    %dma_wait3A_343 = arith.constant 1 : i32
    %dma_wait3A_344 = arith.constant 512 : i32
    %dma_wait3A_345 = tpu.memref_slice %arg11[%dma_wait3A_344] : memref<13312xf32, #tpu.memory_space<vmem>> -> memref<512xf32, #tpu.memory_space<vmem>>
    %dma_wait3A_346 = tpu.memref_slice %arg20[%dma_wait3A_343, %mul3A_60] : memref<26x8192xf32, #tpu.memory_space<vmem_shared>> -> memref<1x512xf32, #tpu.memory_space<vmem_shared>>
    %dma_wait3A_347 = tpu.memref_squeeze %dma_wait3A_346 : memref<1x512xf32, #tpu.memory_space<vmem_shared>> -> memref<512xf32, #tpu.memory_space<vmem_shared>>
    %dma_wait3A_348 = arith.constant 512 : i32
    %dma_wait3A_349 = tpu.memref_slice %arg11[%dma_wait3A_348] : memref<13312xf32, #tpu.memory_space<vmem>> -> memref<512xf32, #tpu.memory_space<vmem>>
    %dma_wait3A_350 = tpu.memref_slice %arg20[%dma_wait3A_343, %mul3A_60] : memref<26x8192xf32, #tpu.memory_space<vmem_shared>> -> memref<1x512xf32, #tpu.memory_space<vmem_shared>>
    %dma_wait3A_351 = tpu.memref_squeeze %dma_wait3A_350 : memref<1x512xf32, #tpu.memory_space<vmem_shared>> -> memref<512xf32, #tpu.memory_space<vmem_shared>>
    tpu.wait_dma2 semaphore(%arg19 : memref<!tpu.dma_semaphore, #tpu.memory_space<semaphore_mem>>) src(%dma_wait3A_351 : memref<512xf32, #tpu.memory_space<vmem_shared>>) dst(%dma_wait3A_349 : memref<512xf32, #tpu.memory_space<vmem>>)
    %dma_wait3A_352 = arith.constant 2 : i32
    %dma_wait3A_353 = arith.constant 1024 : i32
    %dma_wait3A_354 = tpu.memref_slice %arg11[%dma_wait3A_353] : memref<13312xf32, #tpu.memory_space<vmem>> -> memref<512xf32, #tpu.memory_space<vmem>>
    %dma_wait3A_355 = tpu.memref_slice %arg20[%dma_wait3A_352, %mul3A_71] : memref<26x8192xf32, #tpu.memory_space<vmem_shared>> -> memref<1x512xf32, #tpu.memory_space<vmem_shared>>
    %dma_wait3A_356 = tpu.memref_squeeze %dma_wait3A_355 : memref<1x512xf32, #tpu.memory_space<vmem_shared>> -> memref<512xf32, #tpu.memory_space<vmem_shared>>
    %dma_wait3A_357 = arith.constant 1024 : i32
    %dma_wait3A_358 = tpu.memref_slice %arg11[%dma_wait3A_357] : memref<13312xf32, #tpu.memory_space<vmem>> -> memref<512xf32, #tpu.memory_space<vmem>>
    %dma_wait3A_359 = tpu.memref_slice %arg20[%dma_wait3A_352, %mul3A_71] : memref<26x8192xf32, #tpu.memory_space<vmem_shared>> -> memref<1x512xf32, #tpu.memory_space<vmem_shared>>
    %dma_wait3A_360 = tpu.memref_squeeze %dma_wait3A_359 : memref<1x512xf32, #tpu.memory_space<vmem_shared>> -> memref<512xf32, #tpu.memory_space<vmem_shared>>
    tpu.wait_dma2 semaphore(%arg19 : memref<!tpu.dma_semaphore, #tpu.memory_space<semaphore_mem>>) src(%dma_wait3A_360 : memref<512xf32, #tpu.memory_space<vmem_shared>>) dst(%dma_wait3A_358 : memref<512xf32, #tpu.memory_space<vmem>>)
    %dma_wait3A_361 = arith.constant 3 : i32
    %dma_wait3A_362 = arith.constant 1536 : i32
    %dma_wait3A_363 = tpu.memref_slice %arg11[%dma_wait3A_362] : memref<13312xf32, #tpu.memory_space<vmem>> -> memref<512xf32, #tpu.memory_space<vmem>>
    %dma_wait3A_364 = tpu.memref_slice %arg20[%dma_wait3A_361, %mul3A_82] : memref<26x8192xf32, #tpu.memory_space<vmem_shared>> -> memref<1x512xf32, #tpu.memory_space<vmem_shared>>
    %dma_wait3A_365 = tpu.memref_squeeze %dma_wait3A_364 : memref<1x512xf32, #tpu.memory_space<vmem_shared>> -> memref<512xf32, #tpu.memory_space<vmem_shared>>
    %dma_wait3A_366 = arith.constant 1536 : i32
    %dma_wait3A_367 = tpu.memref_slice %arg11[%dma_wait3A_366] : memref<13312xf32, #tpu.memory_space<vmem>> -> memref<512xf32, #tpu.memory_space<vmem>>
    %dma_wait3A_368 = tpu.memref_slice %arg20[%dma_wait3A_361, %mul3A_82] : memref<26x8192xf32, #tpu.memory_space<vmem_shared>> -> memref<1x512xf32, #tpu.memory_space<vmem_shared>>
    %dma_wait3A_369 = tpu.memref_squeeze %dma_wait3A_368 : memref<1x512xf32, #tpu.memory_space<vmem_shared>> -> memref<512xf32, #tpu.memory_space<vmem_shared>>
    tpu.wait_dma2 semaphore(%arg19 : memref<!tpu.dma_semaphore, #tpu.memory_space<semaphore_mem>>) src(%dma_wait3A_369 : memref<512xf32, #tpu.memory_space<vmem_shared>>) dst(%dma_wait3A_367 : memref<512xf32, #tpu.memory_space<vmem>>)
    %dma_wait3A_370 = arith.constant 4 : i32
    %dma_wait3A_371 = arith.constant 2048 : i32
    %dma_wait3A_372 = tpu.memref_slice %arg11[%dma_wait3A_371] : memref<13312xf32, #tpu.memory_space<vmem>> -> memref<512xf32, #tpu.memory_space<vmem>>
    %dma_wait3A_373 = tpu.memref_slice %arg20[%dma_wait3A_370, %mul3A_93] : memref<26x8192xf32, #tpu.memory_space<vmem_shared>> -> memref<1x512xf32, #tpu.memory_space<vmem_shared>>
    %dma_wait3A_374 = tpu.memref_squeeze %dma_wait3A_373 : memref<1x512xf32, #tpu.memory_space<vmem_shared>> -> memref<512xf32, #tpu.memory_space<vmem_shared>>
    %dma_wait3A_375 = arith.constant 2048 : i32
    %dma_wait3A_376 = tpu.memref_slice %arg11[%dma_wait3A_375] : memref<13312xf32, #tpu.memory_space<vmem>> -> memref<512xf32, #tpu.memory_space<vmem>>
    %dma_wait3A_377 = tpu.memref_slice %arg20[%dma_wait3A_370, %mul3A_93] : memref<26x8192xf32, #tpu.memory_space<vmem_shared>> -> memref<1x512xf32, #tpu.memory_space<vmem_shared>>
    %dma_wait3A_378 = tpu.memref_squeeze %dma_wait3A_377 : memref<1x512xf32, #tpu.memory_space<vmem_shared>> -> memref<512xf32, #tpu.memory_space<vmem_shared>>
    tpu.wait_dma2 semaphore(%arg19 : memref<!tpu.dma_semaphore, #tpu.memory_space<semaphore_mem>>) src(%dma_wait3A_378 : memref<512xf32, #tpu.memory_space<vmem_shared>>) dst(%dma_wait3A_376 : memref<512xf32, #tpu.memory_space<vmem>>)
    %dma_wait3A_379 = arith.constant 5 : i32
    %dma_wait3A_380 = arith.constant 2560 : i32
    %dma_wait3A_381 = tpu.memref_slice %arg11[%dma_wait3A_380] : memref<13312xf32, #tpu.memory_space<vmem>> -> memref<512xf32, #tpu.memory_space<vmem>>
    %dma_wait3A_382 = tpu.memref_slice %arg20[%dma_wait3A_379, %mul3A_104] : memref<26x8192xf32, #tpu.memory_space<vmem_shared>> -> memref<1x512xf32, #tpu.memory_space<vmem_shared>>
    %dma_wait3A_383 = tpu.memref_squeeze %dma_wait3A_382 : memref<1x512xf32, #tpu.memory_space<vmem_shared>> -> memref<512xf32, #tpu.memory_space<vmem_shared>>
    %dma_wait3A_384 = arith.constant 2560 : i32
    %dma_wait3A_385 = tpu.memref_slice %arg11[%dma_wait3A_384] : memref<13312xf32, #tpu.memory_space<vmem>> -> memref<512xf32, #tpu.memory_space<vmem>>
    %dma_wait3A_386 = tpu.memref_slice %arg20[%dma_wait3A_379, %mul3A_104] : memref<26x8192xf32, #tpu.memory_space<vmem_shared>> -> memref<1x512xf32, #tpu.memory_space<vmem_shared>>
    %dma_wait3A_387 = tpu.memref_squeeze %dma_wait3A_386 : memref<1x512xf32, #tpu.memory_space<vmem_shared>> -> memref<512xf32, #tpu.memory_space<vmem_shared>>
    tpu.wait_dma2 semaphore(%arg19 : memref<!tpu.dma_semaphore, #tpu.memory_space<semaphore_mem>>) src(%dma_wait3A_387 : memref<512xf32, #tpu.memory_space<vmem_shared>>) dst(%dma_wait3A_385 : memref<512xf32, #tpu.memory_space<vmem>>)
    %dma_wait3A_388 = arith.constant 6 : i32
    %dma_wait3A_389 = arith.constant 3072 : i32
    %dma_wait3A_390 = tpu.memref_slice %arg11[%dma_wait3A_389] : memref<13312xf32, #tpu.memory_space<vmem>> -> memref<512xf32, #tpu.memory_space<vmem>>
    %dma_wait3A_391 = tpu.memref_slice %arg20[%dma_wait3A_388, %mul3A_115] : memref<26x8192xf32, #tpu.memory_space<vmem_shared>> -> memref<1x512xf32, #tpu.memory_space<vmem_shared>>
    %dma_wait3A_392 = tpu.memref_squeeze %dma_wait3A_391 : memref<1x512xf32, #tpu.memory_space<vmem_shared>> -> memref<512xf32, #tpu.memory_space<vmem_shared>>
    %dma_wait3A_393 = arith.constant 3072 : i32
    %dma_wait3A_394 = tpu.memref_slice %arg11[%dma_wait3A_393] : memref<13312xf32, #tpu.memory_space<vmem>> -> memref<512xf32, #tpu.memory_space<vmem>>
    %dma_wait3A_395 = tpu.memref_slice %arg20[%dma_wait3A_388, %mul3A_115] : memref<26x8192xf32, #tpu.memory_space<vmem_shared>> -> memref<1x512xf32, #tpu.memory_space<vmem_shared>>
    %dma_wait3A_396 = tpu.memref_squeeze %dma_wait3A_395 : memref<1x512xf32, #tpu.memory_space<vmem_shared>> -> memref<512xf32, #tpu.memory_space<vmem_shared>>
    tpu.wait_dma2 semaphore(%arg19 : memref<!tpu.dma_semaphore, #tpu.memory_space<semaphore_mem>>) src(%dma_wait3A_396 : memref<512xf32, #tpu.memory_space<vmem_shared>>) dst(%dma_wait3A_394 : memref<512xf32, #tpu.memory_space<vmem>>)
    %dma_wait3A_397 = arith.constant 7 : i32
    %dma_wait3A_398 = arith.constant 3584 : i32
    %dma_wait3A_399 = tpu.memref_slice %arg11[%dma_wait3A_398] : memref<13312xf32, #tpu.memory_space<vmem>> -> memref<512xf32, #tpu.memory_space<vmem>>
    %dma_wait3A_400 = tpu.memref_slice %arg20[%dma_wait3A_397, %mul3A_126] : memref<26x8192xf32, #tpu.memory_space<vmem_shared>> -> memref<1x512xf32, #tpu.memory_space<vmem_shared>>
    %dma_wait3A_401 = tpu.memref_squeeze %dma_wait3A_400 : memref<1x512xf32, #tpu.memory_space<vmem_shared>> -> memref<512xf32, #tpu.memory_space<vmem_shared>>
    %dma_wait3A_402 = arith.constant 3584 : i32
    %dma_wait3A_403 = tpu.memref_slice %arg11[%dma_wait3A_402] : memref<13312xf32, #tpu.memory_space<vmem>> -> memref<512xf32, #tpu.memory_space<vmem>>
    %dma_wait3A_404 = tpu.memref_slice %arg20[%dma_wait3A_397, %mul3A_126] : memref<26x8192xf32, #tpu.memory_space<vmem_shared>> -> memref<1x512xf32, #tpu.memory_space<vmem_shared>>
    %dma_wait3A_405 = tpu.memref_squeeze %dma_wait3A_404 : memref<1x512xf32, #tpu.memory_space<vmem_shared>> -> memref<512xf32, #tpu.memory_space<vmem_shared>>
    tpu.wait_dma2 semaphore(%arg19 : memref<!tpu.dma_semaphore, #tpu.memory_space<semaphore_mem>>) src(%dma_wait3A_405 : memref<512xf32, #tpu.memory_space<vmem_shared>>) dst(%dma_wait3A_403 : memref<512xf32, #tpu.memory_space<vmem>>)
    %dma_wait3A_406 = arith.constant 8 : i32
    %dma_wait3A_407 = arith.constant 4096 : i32
    %dma_wait3A_408 = tpu.memref_slice %arg11[%dma_wait3A_407] : memref<13312xf32, #tpu.memory_space<vmem>> -> memref<512xf32, #tpu.memory_space<vmem>>
    %dma_wait3A_409 = tpu.memref_slice %arg20[%dma_wait3A_406, %mul3A_137] : memref<26x8192xf32, #tpu.memory_space<vmem_shared>> -> memref<1x512xf32, #tpu.memory_space<vmem_shared>>
    %dma_wait3A_410 = tpu.memref_squeeze %dma_wait3A_409 : memref<1x512xf32, #tpu.memory_space<vmem_shared>> -> memref<512xf32, #tpu.memory_space<vmem_shared>>
    %dma_wait3A_411 = arith.constant 4096 : i32
    %dma_wait3A_412 = tpu.memref_slice %arg11[%dma_wait3A_411] : memref<13312xf32, #tpu.memory_space<vmem>> -> memref<512xf32, #tpu.memory_space<vmem>>
    %dma_wait3A_413 = tpu.memref_slice %arg20[%dma_wait3A_406, %mul3A_137] : memref<26x8192xf32, #tpu.memory_space<vmem_shared>> -> memref<1x512xf32, #tpu.memory_space<vmem_shared>>
    %dma_wait3A_414 = tpu.memref_squeeze %dma_wait3A_413 : memref<1x512xf32, #tpu.memory_space<vmem_shared>> -> memref<512xf32, #tpu.memory_space<vmem_shared>>
    tpu.wait_dma2 semaphore(%arg19 : memref<!tpu.dma_semaphore, #tpu.memory_space<semaphore_mem>>) src(%dma_wait3A_414 : memref<512xf32, #tpu.memory_space<vmem_shared>>) dst(%dma_wait3A_412 : memref<512xf32, #tpu.memory_space<vmem>>)
    %dma_wait3A_415 = arith.constant 9 : i32
    %dma_wait3A_416 = arith.constant 4608 : i32
    %dma_wait3A_417 = tpu.memref_slice %arg11[%dma_wait3A_416] : memref<13312xf32, #tpu.memory_space<vmem>> -> memref<512xf32, #tpu.memory_space<vmem>>
    %dma_wait3A_418 = tpu.memref_slice %arg20[%dma_wait3A_415, %mul3A_148] : memref<26x8192xf32, #tpu.memory_space<vmem_shared>> -> memref<1x512xf32, #tpu.memory_space<vmem_shared>>
    %dma_wait3A_419 = tpu.memref_squeeze %dma_wait3A_418 : memref<1x512xf32, #tpu.memory_space<vmem_shared>> -> memref<512xf32, #tpu.memory_space<vmem_shared>>
    %dma_wait3A_420 = arith.constant 4608 : i32
    %dma_wait3A_421 = tpu.memref_slice %arg11[%dma_wait3A_420] : memref<13312xf32, #tpu.memory_space<vmem>> -> memref<512xf32, #tpu.memory_space<vmem>>
    %dma_wait3A_422 = tpu.memref_slice %arg20[%dma_wait3A_415, %mul3A_148] : memref<26x8192xf32, #tpu.memory_space<vmem_shared>> -> memref<1x512xf32, #tpu.memory_space<vmem_shared>>
    %dma_wait3A_423 = tpu.memref_squeeze %dma_wait3A_422 : memref<1x512xf32, #tpu.memory_space<vmem_shared>> -> memref<512xf32, #tpu.memory_space<vmem_shared>>
    tpu.wait_dma2 semaphore(%arg19 : memref<!tpu.dma_semaphore, #tpu.memory_space<semaphore_mem>>) src(%dma_wait3A_423 : memref<512xf32, #tpu.memory_space<vmem_shared>>) dst(%dma_wait3A_421 : memref<512xf32, #tpu.memory_space<vmem>>)
    %dma_wait3A_424 = arith.constant 10 : i32
    %dma_wait3A_425 = arith.constant 5120 : i32
    %dma_wait3A_426 = tpu.memref_slice %arg11[%dma_wait3A_425] : memref<13312xf32, #tpu.memory_space<vmem>> -> memref<512xf32, #tpu.memory_space<vmem>>
    %dma_wait3A_427 = tpu.memref_slice %arg20[%dma_wait3A_424, %mul3A_159] : memref<26x8192xf32, #tpu.memory_space<vmem_shared>> -> memref<1x512xf32, #tpu.memory_space<vmem_shared>>
    %dma_wait3A_428 = tpu.memref_squeeze %dma_wait3A_427 : memref<1x512xf32, #tpu.memory_space<vmem_shared>> -> memref<512xf32, #tpu.memory_space<vmem_shared>>
    %dma_wait3A_429 = arith.constant 5120 : i32
    %dma_wait3A_430 = tpu.memref_slice %arg11[%dma_wait3A_429] : memref<13312xf32, #tpu.memory_space<vmem>> -> memref<512xf32, #tpu.memory_space<vmem>>
    %dma_wait3A_431 = tpu.memref_slice %arg20[%dma_wait3A_424, %mul3A_159] : memref<26x8192xf32, #tpu.memory_space<vmem_shared>> -> memref<1x512xf32, #tpu.memory_space<vmem_shared>>
    %dma_wait3A_432 = tpu.memref_squeeze %dma_wait3A_431 : memref<1x512xf32, #tpu.memory_space<vmem_shared>> -> memref<512xf32, #tpu.memory_space<vmem_shared>>
    tpu.wait_dma2 semaphore(%arg19 : memref<!tpu.dma_semaphore, #tpu.memory_space<semaphore_mem>>) src(%dma_wait3A_432 : memref<512xf32, #tpu.memory_space<vmem_shared>>) dst(%dma_wait3A_430 : memref<512xf32, #tpu.memory_space<vmem>>)
    %dma_wait3A_433 = arith.constant 11 : i32
    %dma_wait3A_434 = arith.constant 5632 : i32
    %dma_wait3A_435 = tpu.memref_slice %arg11[%dma_wait3A_434] : memref<13312xf32, #tpu.memory_space<vmem>> -> memref<512xf32, #tpu.memory_space<vmem>>
    %dma_wait3A_436 = tpu.memref_slice %arg20[%dma_wait3A_433, %mul3A_170] : memref<26x8192xf32, #tpu.memory_space<vmem_shared>> -> memref<1x512xf32, #tpu.memory_space<vmem_shared>>
    %dma_wait3A_437 = tpu.memref_squeeze %dma_wait3A_436 : memref<1x512xf32, #tpu.memory_space<vmem_shared>> -> memref<512xf32, #tpu.memory_space<vmem_shared>>
    %dma_wait3A_438 = arith.constant 5632 : i32
    %dma_wait3A_439 = tpu.memref_slice %arg11[%dma_wait3A_438] : memref<13312xf32, #tpu.memory_space<vmem>> -> memref<512xf32, #tpu.memory_space<vmem>>
    %dma_wait3A_440 = tpu.memref_slice %arg20[%dma_wait3A_433, %mul3A_170] : memref<26x8192xf32, #tpu.memory_space<vmem_shared>> -> memref<1x512xf32, #tpu.memory_space<vmem_shared>>
    %dma_wait3A_441 = tpu.memref_squeeze %dma_wait3A_440 : memref<1x512xf32, #tpu.memory_space<vmem_shared>> -> memref<512xf32, #tpu.memory_space<vmem_shared>>
    tpu.wait_dma2 semaphore(%arg19 : memref<!tpu.dma_semaphore, #tpu.memory_space<semaphore_mem>>) src(%dma_wait3A_441 : memref<512xf32, #tpu.memory_space<vmem_shared>>) dst(%dma_wait3A_439 : memref<512xf32, #tpu.memory_space<vmem>>)
    %dma_wait3A_442 = arith.constant 12 : i32
    %dma_wait3A_443 = arith.constant 6144 : i32
    %dma_wait3A_444 = tpu.memref_slice %arg11[%dma_wait3A_443] : memref<13312xf32, #tpu.memory_space<vmem>> -> memref<512xf32, #tpu.memory_space<vmem>>
    %dma_wait3A_445 = tpu.memref_slice %arg20[%dma_wait3A_442, %mul3A_181] : memref<26x8192xf32, #tpu.memory_space<vmem_shared>> -> memref<1x512xf32, #tpu.memory_space<vmem_shared>>
    %dma_wait3A_446 = tpu.memref_squeeze %dma_wait3A_445 : memref<1x512xf32, #tpu.memory_space<vmem_shared>> -> memref<512xf32, #tpu.memory_space<vmem_shared>>
    %dma_wait3A_447 = arith.constant 6144 : i32
    %dma_wait3A_448 = tpu.memref_slice %arg11[%dma_wait3A_447] : memref<13312xf32, #tpu.memory_space<vmem>> -> memref<512xf32, #tpu.memory_space<vmem>>
    %dma_wait3A_449 = tpu.memref_slice %arg20[%dma_wait3A_442, %mul3A_181] : memref<26x8192xf32, #tpu.memory_space<vmem_shared>> -> memref<1x512xf32, #tpu.memory_space<vmem_shared>>
    %dma_wait3A_450 = tpu.memref_squeeze %dma_wait3A_449 : memref<1x512xf32, #tpu.memory_space<vmem_shared>> -> memref<512xf32, #tpu.memory_space<vmem_shared>>
    tpu.wait_dma2 semaphore(%arg19 : memref<!tpu.dma_semaphore, #tpu.memory_space<semaphore_mem>>) src(%dma_wait3A_450 : memref<512xf32, #tpu.memory_space<vmem_shared>>) dst(%dma_wait3A_448 : memref<512xf32, #tpu.memory_space<vmem>>)
    %dma_wait3A_451 = arith.constant 13 : i32
    %dma_wait3A_452 = arith.constant 6656 : i32
    %dma_wait3A_453 = tpu.memref_slice %arg11[%dma_wait3A_452] : memref<13312xf32, #tpu.memory_space<vmem>> -> memref<512xf32, #tpu.memory_space<vmem>>
    %dma_wait3A_454 = tpu.memref_slice %arg20[%dma_wait3A_451, %mul3A_192] : memref<26x8192xf32, #tpu.memory_space<vmem_shared>> -> memref<1x512xf32, #tpu.memory_space<vmem_shared>>
    %dma_wait3A_455 = tpu.memref_squeeze %dma_wait3A_454 : memref<1x512xf32, #tpu.memory_space<vmem_shared>> -> memref<512xf32, #tpu.memory_space<vmem_shared>>
    %dma_wait3A_456 = arith.constant 6656 : i32
    %dma_wait3A_457 = tpu.memref_slice %arg11[%dma_wait3A_456] : memref<13312xf32, #tpu.memory_space<vmem>> -> memref<512xf32, #tpu.memory_space<vmem>>
    %dma_wait3A_458 = tpu.memref_slice %arg20[%dma_wait3A_451, %mul3A_192] : memref<26x8192xf32, #tpu.memory_space<vmem_shared>> -> memref<1x512xf32, #tpu.memory_space<vmem_shared>>
    %dma_wait3A_459 = tpu.memref_squeeze %dma_wait3A_458 : memref<1x512xf32, #tpu.memory_space<vmem_shared>> -> memref<512xf32, #tpu.memory_space<vmem_shared>>
    tpu.wait_dma2 semaphore(%arg19 : memref<!tpu.dma_semaphore, #tpu.memory_space<semaphore_mem>>) src(%dma_wait3A_459 : memref<512xf32, #tpu.memory_space<vmem_shared>>) dst(%dma_wait3A_457 : memref<512xf32, #tpu.memory_space<vmem>>)
    %dma_wait3A_460 = arith.constant 14 : i32
    %dma_wait3A_461 = arith.constant 7168 : i32
    %dma_wait3A_462 = tpu.memref_slice %arg11[%dma_wait3A_461] : memref<13312xf32, #tpu.memory_space<vmem>> -> memref<512xf32, #tpu.memory_space<vmem>>
    %dma_wait3A_463 = tpu.memref_slice %arg20[%dma_wait3A_460, %mul3A_203] : memref<26x8192xf32, #tpu.memory_space<vmem_shared>> -> memref<1x512xf32, #tpu.memory_space<vmem_shared>>
    %dma_wait3A_464 = tpu.memref_squeeze %dma_wait3A_463 : memref<1x512xf32, #tpu.memory_space<vmem_shared>> -> memref<512xf32, #tpu.memory_space<vmem_shared>>
    %dma_wait3A_465 = arith.constant 7168 : i32
    %dma_wait3A_466 = tpu.memref_slice %arg11[%dma_wait3A_465] : memref<13312xf32, #tpu.memory_space<vmem>> -> memref<512xf32, #tpu.memory_space<vmem>>
    %dma_wait3A_467 = tpu.memref_slice %arg20[%dma_wait3A_460, %mul3A_203] : memref<26x8192xf32, #tpu.memory_space<vmem_shared>> -> memref<1x512xf32, #tpu.memory_space<vmem_shared>>
    %dma_wait3A_468 = tpu.memref_squeeze %dma_wait3A_467 : memref<1x512xf32, #tpu.memory_space<vmem_shared>> -> memref<512xf32, #tpu.memory_space<vmem_shared>>
    tpu.wait_dma2 semaphore(%arg19 : memref<!tpu.dma_semaphore, #tpu.memory_space<semaphore_mem>>) src(%dma_wait3A_468 : memref<512xf32, #tpu.memory_space<vmem_shared>>) dst(%dma_wait3A_466 : memref<512xf32, #tpu.memory_space<vmem>>)
    %dma_wait3A_469 = arith.constant 15 : i32
    %dma_wait3A_470 = arith.constant 7680 : i32
    %dma_wait3A_471 = tpu.memref_slice %arg11[%dma_wait3A_470] : memref<13312xf32, #tpu.memory_space<vmem>> -> memref<512xf32, #tpu.memory_space<vmem>>
    %dma_wait3A_472 = tpu.memref_slice %arg20[%dma_wait3A_469, %mul3A_214] : memref<26x8192xf32, #tpu.memory_space<vmem_shared>> -> memref<1x512xf32, #tpu.memory_space<vmem_shared>>
    %dma_wait3A_473 = tpu.memref_squeeze %dma_wait3A_472 : memref<1x512xf32, #tpu.memory_space<vmem_shared>> -> memref<512xf32, #tpu.memory_space<vmem_shared>>
    %dma_wait3A_474 = arith.constant 7680 : i32
    %dma_wait3A_475 = tpu.memref_slice %arg11[%dma_wait3A_474] : memref<13312xf32, #tpu.memory_space<vmem>> -> memref<512xf32, #tpu.memory_space<vmem>>
    %dma_wait3A_476 = tpu.memref_slice %arg20[%dma_wait3A_469, %mul3A_214] : memref<26x8192xf32, #tpu.memory_space<vmem_shared>> -> memref<1x512xf32, #tpu.memory_space<vmem_shared>>
    %dma_wait3A_477 = tpu.memref_squeeze %dma_wait3A_476 : memref<1x512xf32, #tpu.memory_space<vmem_shared>> -> memref<512xf32, #tpu.memory_space<vmem_shared>>
    tpu.wait_dma2 semaphore(%arg19 : memref<!tpu.dma_semaphore, #tpu.memory_space<semaphore_mem>>) src(%dma_wait3A_477 : memref<512xf32, #tpu.memory_space<vmem_shared>>) dst(%dma_wait3A_475 : memref<512xf32, #tpu.memory_space<vmem>>)
    %dma_wait3A_478 = arith.constant 16 : i32
    %dma_wait3A_479 = arith.constant 8192 : i32
    %dma_wait3A_480 = tpu.memref_slice %arg11[%dma_wait3A_479] : memref<13312xf32, #tpu.memory_space<vmem>> -> memref<512xf32, #tpu.memory_space<vmem>>
    %dma_wait3A_481 = tpu.memref_slice %arg20[%dma_wait3A_478, %mul3A_225] : memref<26x8192xf32, #tpu.memory_space<vmem_shared>> -> memref<1x512xf32, #tpu.memory_space<vmem_shared>>
    %dma_wait3A_482 = tpu.memref_squeeze %dma_wait3A_481 : memref<1x512xf32, #tpu.memory_space<vmem_shared>> -> memref<512xf32, #tpu.memory_space<vmem_shared>>
    %dma_wait3A_483 = arith.constant 8192 : i32
    %dma_wait3A_484 = tpu.memref_slice %arg11[%dma_wait3A_483] : memref<13312xf32, #tpu.memory_space<vmem>> -> memref<512xf32, #tpu.memory_space<vmem>>
    %dma_wait3A_485 = tpu.memref_slice %arg20[%dma_wait3A_478, %mul3A_225] : memref<26x8192xf32, #tpu.memory_space<vmem_shared>> -> memref<1x512xf32, #tpu.memory_space<vmem_shared>>
    %dma_wait3A_486 = tpu.memref_squeeze %dma_wait3A_485 : memref<1x512xf32, #tpu.memory_space<vmem_shared>> -> memref<512xf32, #tpu.memory_space<vmem_shared>>
    tpu.wait_dma2 semaphore(%arg19 : memref<!tpu.dma_semaphore, #tpu.memory_space<semaphore_mem>>) src(%dma_wait3A_486 : memref<512xf32, #tpu.memory_space<vmem_shared>>) dst(%dma_wait3A_484 : memref<512xf32, #tpu.memory_space<vmem>>)
    %dma_wait3A_487 = arith.constant 17 : i32
    %dma_wait3A_488 = arith.constant 8704 : i32
    %dma_wait3A_489 = tpu.memref_slice %arg11[%dma_wait3A_488] : memref<13312xf32, #tpu.memory_space<vmem>> -> memref<512xf32, #tpu.memory_space<vmem>>
    %dma_wait3A_490 = tpu.memref_slice %arg20[%dma_wait3A_487, %mul3A_236] : memref<26x8192xf32, #tpu.memory_space<vmem_shared>> -> memref<1x512xf32, #tpu.memory_space<vmem_shared>>
    %dma_wait3A_491 = tpu.memref_squeeze %dma_wait3A_490 : memref<1x512xf32, #tpu.memory_space<vmem_shared>> -> memref<512xf32, #tpu.memory_space<vmem_shared>>
    %dma_wait3A_492 = arith.constant 8704 : i32
    %dma_wait3A_493 = tpu.memref_slice %arg11[%dma_wait3A_492] : memref<13312xf32, #tpu.memory_space<vmem>> -> memref<512xf32, #tpu.memory_space<vmem>>
    %dma_wait3A_494 = tpu.memref_slice %arg20[%dma_wait3A_487, %mul3A_236] : memref<26x8192xf32, #tpu.memory_space<vmem_shared>> -> memref<1x512xf32, #tpu.memory_space<vmem_shared>>
    %dma_wait3A_495 = tpu.memref_squeeze %dma_wait3A_494 : memref<1x512xf32, #tpu.memory_space<vmem_shared>> -> memref<512xf32, #tpu.memory_space<vmem_shared>>
    tpu.wait_dma2 semaphore(%arg19 : memref<!tpu.dma_semaphore, #tpu.memory_space<semaphore_mem>>) src(%dma_wait3A_495 : memref<512xf32, #tpu.memory_space<vmem_shared>>) dst(%dma_wait3A_493 : memref<512xf32, #tpu.memory_space<vmem>>)
    %dma_wait3A_496 = arith.constant 18 : i32
    %dma_wait3A_497 = arith.constant 9216 : i32
    %dma_wait3A_498 = tpu.memref_slice %arg11[%dma_wait3A_497] : memref<13312xf32, #tpu.memory_space<vmem>> -> memref<512xf32, #tpu.memory_space<vmem>>
    %dma_wait3A_499 = tpu.memref_slice %arg20[%dma_wait3A_496, %mul3A_247] : memref<26x8192xf32, #tpu.memory_space<vmem_shared>> -> memref<1x512xf32, #tpu.memory_space<vmem_shared>>
    %dma_wait3A_500 = tpu.memref_squeeze %dma_wait3A_499 : memref<1x512xf32, #tpu.memory_space<vmem_shared>> -> memref<512xf32, #tpu.memory_space<vmem_shared>>
    %dma_wait3A_501 = arith.constant 9216 : i32
    %dma_wait3A_502 = tpu.memref_slice %arg11[%dma_wait3A_501] : memref<13312xf32, #tpu.memory_space<vmem>> -> memref<512xf32, #tpu.memory_space<vmem>>
    %dma_wait3A_503 = tpu.memref_slice %arg20[%dma_wait3A_496, %mul3A_247] : memref<26x8192xf32, #tpu.memory_space<vmem_shared>> -> memref<1x512xf32, #tpu.memory_space<vmem_shared>>
    %dma_wait3A_504 = tpu.memref_squeeze %dma_wait3A_503 : memref<1x512xf32, #tpu.memory_space<vmem_shared>> -> memref<512xf32, #tpu.memory_space<vmem_shared>>
    tpu.wait_dma2 semaphore(%arg19 : memref<!tpu.dma_semaphore, #tpu.memory_space<semaphore_mem>>) src(%dma_wait3A_504 : memref<512xf32, #tpu.memory_space<vmem_shared>>) dst(%dma_wait3A_502 : memref<512xf32, #tpu.memory_space<vmem>>)
    %dma_wait3A_505 = arith.constant 19 : i32
    %dma_wait3A_506 = arith.constant 9728 : i32
    %dma_wait3A_507 = tpu.memref_slice %arg11[%dma_wait3A_506] : memref<13312xf32, #tpu.memory_space<vmem>> -> memref<512xf32, #tpu.memory_space<vmem>>
    %dma_wait3A_508 = tpu.memref_slice %arg20[%dma_wait3A_505, %mul3A_258] : memref<26x8192xf32, #tpu.memory_space<vmem_shared>> -> memref<1x512xf32, #tpu.memory_space<vmem_shared>>
    %dma_wait3A_509 = tpu.memref_squeeze %dma_wait3A_508 : memref<1x512xf32, #tpu.memory_space<vmem_shared>> -> memref<512xf32, #tpu.memory_space<vmem_shared>>
    %dma_wait3A_510 = arith.constant 9728 : i32
    %dma_wait3A_511 = tpu.memref_slice %arg11[%dma_wait3A_510] : memref<13312xf32, #tpu.memory_space<vmem>> -> memref<512xf32, #tpu.memory_space<vmem>>
    %dma_wait3A_512 = tpu.memref_slice %arg20[%dma_wait3A_505, %mul3A_258] : memref<26x8192xf32, #tpu.memory_space<vmem_shared>> -> memref<1x512xf32, #tpu.memory_space<vmem_shared>>
    %dma_wait3A_513 = tpu.memref_squeeze %dma_wait3A_512 : memref<1x512xf32, #tpu.memory_space<vmem_shared>> -> memref<512xf32, #tpu.memory_space<vmem_shared>>
    tpu.wait_dma2 semaphore(%arg19 : memref<!tpu.dma_semaphore, #tpu.memory_space<semaphore_mem>>) src(%dma_wait3A_513 : memref<512xf32, #tpu.memory_space<vmem_shared>>) dst(%dma_wait3A_511 : memref<512xf32, #tpu.memory_space<vmem>>)
    %dma_wait3A_514 = arith.constant 20 : i32
    %dma_wait3A_515 = arith.constant 10240 : i32
    %dma_wait3A_516 = tpu.memref_slice %arg11[%dma_wait3A_515] : memref<13312xf32, #tpu.memory_space<vmem>> -> memref<512xf32, #tpu.memory_space<vmem>>
    %dma_wait3A_517 = tpu.memref_slice %arg20[%dma_wait3A_514, %mul3A_269] : memref<26x8192xf32, #tpu.memory_space<vmem_shared>> -> memref<1x512xf32, #tpu.memory_space<vmem_shared>>
    %dma_wait3A_518 = tpu.memref_squeeze %dma_wait3A_517 : memref<1x512xf32, #tpu.memory_space<vmem_shared>> -> memref<512xf32, #tpu.memory_space<vmem_shared>>
    %dma_wait3A_519 = arith.constant 10240 : i32
    %dma_wait3A_520 = tpu.memref_slice %arg11[%dma_wait3A_519] : memref<13312xf32, #tpu.memory_space<vmem>> -> memref<512xf32, #tpu.memory_space<vmem>>
    %dma_wait3A_521 = tpu.memref_slice %arg20[%dma_wait3A_514, %mul3A_269] : memref<26x8192xf32, #tpu.memory_space<vmem_shared>> -> memref<1x512xf32, #tpu.memory_space<vmem_shared>>
    %dma_wait3A_522 = tpu.memref_squeeze %dma_wait3A_521 : memref<1x512xf32, #tpu.memory_space<vmem_shared>> -> memref<512xf32, #tpu.memory_space<vmem_shared>>
    tpu.wait_dma2 semaphore(%arg19 : memref<!tpu.dma_semaphore, #tpu.memory_space<semaphore_mem>>) src(%dma_wait3A_522 : memref<512xf32, #tpu.memory_space<vmem_shared>>) dst(%dma_wait3A_520 : memref<512xf32, #tpu.memory_space<vmem>>)
    %dma_wait3A_523 = arith.constant 21 : i32
    %dma_wait3A_524 = arith.constant 10752 : i32
    %dma_wait3A_525 = tpu.memref_slice %arg11[%dma_wait3A_524] : memref<13312xf32, #tpu.memory_space<vmem>> -> memref<512xf32, #tpu.memory_space<vmem>>
    %dma_wait3A_526 = tpu.memref_slice %arg20[%dma_wait3A_523, %mul3A_280] : memref<26x8192xf32, #tpu.memory_space<vmem_shared>> -> memref<1x512xf32, #tpu.memory_space<vmem_shared>>
    %dma_wait3A_527 = tpu.memref_squeeze %dma_wait3A_526 : memref<1x512xf32, #tpu.memory_space<vmem_shared>> -> memref<512xf32, #tpu.memory_space<vmem_shared>>
    %dma_wait3A_528 = arith.constant 10752 : i32
    %dma_wait3A_529 = tpu.memref_slice %arg11[%dma_wait3A_528] : memref<13312xf32, #tpu.memory_space<vmem>> -> memref<512xf32, #tpu.memory_space<vmem>>
    %dma_wait3A_530 = tpu.memref_slice %arg20[%dma_wait3A_523, %mul3A_280] : memref<26x8192xf32, #tpu.memory_space<vmem_shared>> -> memref<1x512xf32, #tpu.memory_space<vmem_shared>>
    %dma_wait3A_531 = tpu.memref_squeeze %dma_wait3A_530 : memref<1x512xf32, #tpu.memory_space<vmem_shared>> -> memref<512xf32, #tpu.memory_space<vmem_shared>>
    tpu.wait_dma2 semaphore(%arg19 : memref<!tpu.dma_semaphore, #tpu.memory_space<semaphore_mem>>) src(%dma_wait3A_531 : memref<512xf32, #tpu.memory_space<vmem_shared>>) dst(%dma_wait3A_529 : memref<512xf32, #tpu.memory_space<vmem>>)
    %dma_wait3A_532 = arith.constant 22 : i32
    %dma_wait3A_533 = arith.constant 11264 : i32
    %dma_wait3A_534 = tpu.memref_slice %arg11[%dma_wait3A_533] : memref<13312xf32, #tpu.memory_space<vmem>> -> memref<512xf32, #tpu.memory_space<vmem>>
    %dma_wait3A_535 = tpu.memref_slice %arg20[%dma_wait3A_532, %mul3A_291] : memref<26x8192xf32, #tpu.memory_space<vmem_shared>> -> memref<1x512xf32, #tpu.memory_space<vmem_shared>>
    %dma_wait3A_536 = tpu.memref_squeeze %dma_wait3A_535 : memref<1x512xf32, #tpu.memory_space<vmem_shared>> -> memref<512xf32, #tpu.memory_space<vmem_shared>>
    %dma_wait3A_537 = arith.constant 11264 : i32
    %dma_wait3A_538 = tpu.memref_slice %arg11[%dma_wait3A_537] : memref<13312xf32, #tpu.memory_space<vmem>> -> memref<512xf32, #tpu.memory_space<vmem>>
    %dma_wait3A_539 = tpu.memref_slice %arg20[%dma_wait3A_532, %mul3A_291] : memref<26x8192xf32, #tpu.memory_space<vmem_shared>> -> memref<1x512xf32, #tpu.memory_space<vmem_shared>>
    %dma_wait3A_540 = tpu.memref_squeeze %dma_wait3A_539 : memref<1x512xf32, #tpu.memory_space<vmem_shared>> -> memref<512xf32, #tpu.memory_space<vmem_shared>>
    tpu.wait_dma2 semaphore(%arg19 : memref<!tpu.dma_semaphore, #tpu.memory_space<semaphore_mem>>) src(%dma_wait3A_540 : memref<512xf32, #tpu.memory_space<vmem_shared>>) dst(%dma_wait3A_538 : memref<512xf32, #tpu.memory_space<vmem>>)
    %dma_wait3A_541 = arith.constant 23 : i32
    %dma_wait3A_542 = arith.constant 11776 : i32
    %dma_wait3A_543 = tpu.memref_slice %arg11[%dma_wait3A_542] : memref<13312xf32, #tpu.memory_space<vmem>> -> memref<512xf32, #tpu.memory_space<vmem>>
    %dma_wait3A_544 = tpu.memref_slice %arg20[%dma_wait3A_541, %mul3A_302] : memref<26x8192xf32, #tpu.memory_space<vmem_shared>> -> memref<1x512xf32, #tpu.memory_space<vmem_shared>>
    %dma_wait3A_545 = tpu.memref_squeeze %dma_wait3A_544 : memref<1x512xf32, #tpu.memory_space<vmem_shared>> -> memref<512xf32, #tpu.memory_space<vmem_shared>>
    %dma_wait3A_546 = arith.constant 11776 : i32
    %dma_wait3A_547 = tpu.memref_slice %arg11[%dma_wait3A_546] : memref<13312xf32, #tpu.memory_space<vmem>> -> memref<512xf32, #tpu.memory_space<vmem>>
    %dma_wait3A_548 = tpu.memref_slice %arg20[%dma_wait3A_541, %mul3A_302] : memref<26x8192xf32, #tpu.memory_space<vmem_shared>> -> memref<1x512xf32, #tpu.memory_space<vmem_shared>>
    %dma_wait3A_549 = tpu.memref_squeeze %dma_wait3A_548 : memref<1x512xf32, #tpu.memory_space<vmem_shared>> -> memref<512xf32, #tpu.memory_space<vmem_shared>>
    tpu.wait_dma2 semaphore(%arg19 : memref<!tpu.dma_semaphore, #tpu.memory_space<semaphore_mem>>) src(%dma_wait3A_549 : memref<512xf32, #tpu.memory_space<vmem_shared>>) dst(%dma_wait3A_547 : memref<512xf32, #tpu.memory_space<vmem>>)
    %dma_wait3A_550 = arith.constant 24 : i32
    %dma_wait3A_551 = arith.constant 12288 : i32
    %dma_wait3A_552 = tpu.memref_slice %arg11[%dma_wait3A_551] : memref<13312xf32, #tpu.memory_space<vmem>> -> memref<512xf32, #tpu.memory_space<vmem>>
    %dma_wait3A_553 = tpu.memref_slice %arg20[%dma_wait3A_550, %mul3A_313] : memref<26x8192xf32, #tpu.memory_space<vmem_shared>> -> memref<1x512xf32, #tpu.memory_space<vmem_shared>>
    %dma_wait3A_554 = tpu.memref_squeeze %dma_wait3A_553 : memref<1x512xf32, #tpu.memory_space<vmem_shared>> -> memref<512xf32, #tpu.memory_space<vmem_shared>>
    %dma_wait3A_555 = arith.constant 12288 : i32
    %dma_wait3A_556 = tpu.memref_slice %arg11[%dma_wait3A_555] : memref<13312xf32, #tpu.memory_space<vmem>> -> memref<512xf32, #tpu.memory_space<vmem>>
    %dma_wait3A_557 = tpu.memref_slice %arg20[%dma_wait3A_550, %mul3A_313] : memref<26x8192xf32, #tpu.memory_space<vmem_shared>> -> memref<1x512xf32, #tpu.memory_space<vmem_shared>>
    %dma_wait3A_558 = tpu.memref_squeeze %dma_wait3A_557 : memref<1x512xf32, #tpu.memory_space<vmem_shared>> -> memref<512xf32, #tpu.memory_space<vmem_shared>>
    tpu.wait_dma2 semaphore(%arg19 : memref<!tpu.dma_semaphore, #tpu.memory_space<semaphore_mem>>) src(%dma_wait3A_558 : memref<512xf32, #tpu.memory_space<vmem_shared>>) dst(%dma_wait3A_556 : memref<512xf32, #tpu.memory_space<vmem>>)
    %dma_wait3A_559 = arith.constant 25 : i32
    %dma_wait3A_560 = arith.constant 12800 : i32
    %dma_wait3A_561 = tpu.memref_slice %arg11[%dma_wait3A_560] : memref<13312xf32, #tpu.memory_space<vmem>> -> memref<512xf32, #tpu.memory_space<vmem>>
    %dma_wait3A_562 = tpu.memref_slice %arg20[%dma_wait3A_559, %mul3A_324] : memref<26x8192xf32, #tpu.memory_space<vmem_shared>> -> memref<1x512xf32, #tpu.memory_space<vmem_shared>>
    %dma_wait3A_563 = tpu.memref_squeeze %dma_wait3A_562 : memref<1x512xf32, #tpu.memory_space<vmem_shared>> -> memref<512xf32, #tpu.memory_space<vmem_shared>>
    %dma_wait3A_564 = arith.constant 12800 : i32
    %dma_wait3A_565 = tpu.memref_slice %arg11[%dma_wait3A_564] : memref<13312xf32, #tpu.memory_space<vmem>> -> memref<512xf32, #tpu.memory_space<vmem>>
    %dma_wait3A_566 = tpu.memref_slice %arg20[%dma_wait3A_559, %mul3A_324] : memref<26x8192xf32, #tpu.memory_space<vmem_shared>> -> memref<1x512xf32, #tpu.memory_space<vmem_shared>>
    %dma_wait3A_567 = tpu.memref_squeeze %dma_wait3A_566 : memref<1x512xf32, #tpu.memory_space<vmem_shared>> -> memref<512xf32, #tpu.memory_space<vmem_shared>>
    tpu.wait_dma2 semaphore(%arg19 : memref<!tpu.dma_semaphore, #tpu.memory_space<semaphore_mem>>) src(%dma_wait3A_567 : memref<512xf32, #tpu.memory_space<vmem_shared>>) dst(%dma_wait3A_565 : memref<512xf32, #tpu.memory_space<vmem>>)
    %get3A = arith.constant 0 : index
    %get3A_568 = tpu.vector_load %arg13[%get3A] {strides = array<i32>} : memref<16xf32, #tpu.memory_space<vmem>>, vector<16xf32>,
    %scan3A_569 = arith.constant 0 : i32
    %scan3A_570 = arith.constant 0 : i32
    %scan3A_571 = arith.constant 32 : i32
    %scan3A_572 = arith.addi %scan3A_570, %scan3A_571 : i32
    %scan3A_573 = arith.constant 1 : i32
    scf.for %scan3A_575 = %scan3A_570 to %scan3A_572 step %scan3A_573  : i32 {
      %mul3A_576 = arith.constant 16 : i32
      %mul3A_577 = arith.muli %scan3A_575, %mul3A_576 : i32
      %get3A_578 = arith.index_cast %mul3A_577 : i32 to index
      %get3A_579 = tpu.vector_load %arg11[%get3A_578] {strides = array<i32>} : memref<13312xf32, #tpu.memory_space<vmem>>, vector<16xf32>,
      %mul3A_580 = arith.constant 16 : i32
      %mul3A_581 = arith.muli %scan3A_575, %mul3A_580 : i32
      %add3A_582 = arith.constant 512 : i32
      %add3A_583 = arith.addi %add3A_582, %mul3A_581 : i32
      %get3A_584 = arith.index_cast %add3A_583 : i32 to index
      %get3A_585 = tpu.vector_load %arg11[%get3A_584] {strides = array<i32>} : memref<13312xf32, #tpu.memory_space<vmem>>, vector<16xf32>,
      %add3A_586 = arith.addf %get3A_579, %get3A_585 : vector<16xf32>
      %mul3A_587 = arith.constant 16 : i32
      %mul3A_588 = arith.muli %scan3A_575, %mul3A_587 : i32
      %add3A_589 = arith.constant 1024 : i32
      %add3A_590 = arith.addi %add3A_589, %mul3A_588 : i32
      %get3A_591 = arith.index_cast %add3A_590 : i32 to index
      %get3A_592 = tpu.vector_load %arg11[%get3A_591] {strides = array<i32>} : memref<13312xf32, #tpu.memory_space<vmem>>, vector<16xf32>,
      %add3A_593 = arith.addf %add3A_586, %get3A_592 : vector<16xf32>
      %mul3A_594 = arith.constant 16 : i32
      %mul3A_595 = arith.muli %scan3A_575, %mul3A_594 : i32
      %add3A_596 = arith.constant 1536 : i32
      %add3A_597 = arith.addi %add3A_596, %mul3A_595 : i32
      %get3A_598 = arith.index_cast %add3A_597 : i32 to index
      %get3A_599 = tpu.vector_load %arg11[%get3A_598] {strides = array<i32>} : memref<13312xf32, #tpu.memory_space<vmem>>, vector<16xf32>,
      %add3A_600 = arith.addf %add3A_593, %get3A_599 : vector<16xf32>
      %mul3A_601 = arith.constant 16 : i32
      %mul3A_602 = arith.muli %scan3A_575, %mul3A_601 : i32
      %add3A_603 = arith.constant 2048 : i32
      %add3A_604 = arith.addi %add3A_603, %mul3A_602 : i32
      %get3A_605 = arith.index_cast %add3A_604 : i32 to index
      %get3A_606 = tpu.vector_load %arg11[%get3A_605] {strides = array<i32>} : memref<13312xf32, #tpu.memory_space<vmem>>, vector<16xf32>,
      %add3A_607 = arith.addf %add3A_600, %get3A_606 : vector<16xf32>
      %mul3A_608 = arith.constant 16 : i32
      %mul3A_609 = arith.muli %scan3A_575, %mul3A_608 : i32
      %add3A_610 = arith.constant 2560 : i32
      %add3A_611 = arith.addi %add3A_610, %mul3A_609 : i32
      %get3A_612 = arith.index_cast %add3A_611 : i32 to index
      %get3A_613 = tpu.vector_load %arg11[%get3A_612] {strides = array<i32>} : memref<13312xf32, #tpu.memory_space<vmem>>, vector<16xf32>,
      %add3A_614 = arith.addf %add3A_607, %get3A_613 : vector<16xf32>
      %mul3A_615 = arith.constant 16 : i32
      %mul3A_616 = arith.muli %scan3A_575, %mul3A_615 : i32
      %add3A_617 = arith.constant 3072 : i32
      %add3A_618 = arith.addi %add3A_617, %mul3A_616 : i32
      %get3A_619 = arith.index_cast %add3A_618 : i32 to index
      %get3A_620 = tpu.vector_load %arg11[%get3A_619] {strides = array<i32>} : memref<13312xf32, #tpu.memory_space<vmem>>, vector<16xf32>,
      %add3A_621 = arith.addf %add3A_614, %get3A_620 : vector<16xf32>
      %mul3A_622 = arith.constant 16 : i32
      %mul3A_623 = arith.muli %scan3A_575, %mul3A_622 : i32
      %add3A_624 = arith.constant 3584 : i32
      %add3A_625 = arith.addi %add3A_624, %mul3A_623 : i32
      %get3A_626 = arith.index_cast %add3A_625 : i32 to index
      %get3A_627 = tpu.vector_load %arg11[%get3A_626] {strides = array<i32>} : memref<13312xf32, #tpu.memory_space<vmem>>, vector<16xf32>,
      %add3A_628 = arith.addf %add3A_621, %get3A_627 : vector<16xf32>
      %mul3A_629 = arith.constant 16 : i32
      %mul3A_630 = arith.muli %scan3A_575, %mul3A_629 : i32
      %add3A_631 = arith.constant 4096 : i32
      %add3A_632 = arith.addi %add3A_631, %mul3A_630 : i32
      %get3A_633 = arith.index_cast %add3A_632 : i32 to index
      %get3A_634 = tpu.vector_load %arg11[%get3A_633] {strides = array<i32>} : memref<13312xf32, #tpu.memory_space<vmem>>, vector<16xf32>,
      %add3A_635 = arith.addf %add3A_628, %get3A_634 : vector<16xf32>
      %mul3A_636 = arith.constant 16 : i32
      %mul3A_637 = arith.muli %scan3A_575, %mul3A_636 : i32
      %add3A_638 = arith.constant 4608 : i32
      %add3A_639 = arith.addi %add3A_638, %mul3A_637 : i32
      %get3A_640 = arith.index_cast %add3A_639 : i32 to index
      %get3A_641 = tpu.vector_load %arg11[%get3A_640] {strides = array<i32>} : memref<13312xf32, #tpu.memory_space<vmem>>, vector<16xf32>,
      %add3A_642 = arith.addf %add3A_635, %get3A_641 : vector<16xf32>
      %mul3A_643 = arith.constant 16 : i32
      %mul3A_644 = arith.muli %scan3A_575, %mul3A_643 : i32
      %add3A_645 = arith.constant 5120 : i32
      %add3A_646 = arith.addi %add3A_645, %mul3A_644 : i32
      %get3A_647 = arith.index_cast %add3A_646 : i32 to index
      %get3A_648 = tpu.vector_load %arg11[%get3A_647] {strides = array<i32>} : memref<13312xf32, #tpu.memory_space<vmem>>, vector<16xf32>,
      %add3A_649 = arith.addf %add3A_642, %get3A_648 : vector<16xf32>
      %mul3A_650 = arith.constant 16 : i32
      %mul3A_651 = arith.muli %scan3A_575, %mul3A_650 : i32
      %add3A_652 = arith.constant 5632 : i32
      %add3A_653 = arith.addi %add3A_652, %mul3A_651 : i32
      %get3A_654 = arith.index_cast %add3A_653 : i32 to index
      %get3A_655 = tpu.vector_load %arg11[%get3A_654] {strides = array<i32>} : memref<13312xf32, #tpu.memory_space<vmem>>, vector<16xf32>,
      %add3A_656 = arith.addf %add3A_649, %get3A_655 : vector<16xf32>
      %mul3A_657 = arith.constant 16 : i32
      %mul3A_658 = arith.muli %scan3A_575, %mul3A_657 : i32
      %add3A_659 = arith.constant 6144 : i32
      %add3A_660 = arith.addi %add3A_659, %mul3A_658 : i32
      %get3A_661 = arith.index_cast %add3A_660 : i32 to index
      %get3A_662 = tpu.vector_load %arg11[%get3A_661] {strides = array<i32>} : memref<13312xf32, #tpu.memory_space<vmem>>, vector<16xf32>,
      %add3A_663 = arith.addf %add3A_656, %get3A_662 : vector<16xf32>
      %mul3A_664 = arith.constant 16 : i32
      %mul3A_665 = arith.muli %scan3A_575, %mul3A_664 : i32
      %add3A_666 = arith.constant 6656 : i32
      %add3A_667 = arith.addi %add3A_666, %mul3A_665 : i32
      %get3A_668 = arith.index_cast %add3A_667 : i32 to index
      %get3A_669 = tpu.vector_load %arg11[%get3A_668] {strides = array<i32>} : memref<13312xf32, #tpu.memory_space<vmem>>, vector<16xf32>,
      %add3A_670 = arith.addf %add3A_663, %get3A_669 : vector<16xf32>
      %mul3A_671 = arith.constant 16 : i32
      %mul3A_672 = arith.muli %scan3A_575, %mul3A_671 : i32
      %add3A_673 = arith.constant 7168 : i32
      %add3A_674 = arith.addi %add3A_673, %mul3A_672 : i32
      %get3A_675 = arith.index_cast %add3A_674 : i32 to index
      %get3A_676 = tpu.vector_load %arg11[%get3A_675] {strides = array<i32>} : memref<13312xf32, #tpu.memory_space<vmem>>, vector<16xf32>,
      %add3A_677 = arith.addf %add3A_670, %get3A_676 : vector<16xf32>
      %mul3A_678 = arith.constant 16 : i32
      %mul3A_679 = arith.muli %scan3A_575, %mul3A_678 : i32
      %add3A_680 = arith.constant 7680 : i32
      %add3A_681 = arith.addi %add3A_680, %mul3A_679 : i32
      %get3A_682 = arith.index_cast %add3A_681 : i32 to index
      %get3A_683 = tpu.vector_load %arg11[%get3A_682] {strides = array<i32>} : memref<13312xf32, #tpu.memory_space<vmem>>, vector<16xf32>,
      %add3A_684 = arith.addf %add3A_677, %get3A_683 : vector<16xf32>
      %mul3A_685 = arith.constant 16 : i32
      %mul3A_686 = arith.muli %scan3A_575, %mul3A_685 : i32
      %add3A_687 = arith.constant 8192 : i32
      %add3A_688 = arith.addi %add3A_687, %mul3A_686 : i32
      %get3A_689 = arith.index_cast %add3A_688 : i32 to index
      %get3A_690 = tpu.vector_load %arg11[%get3A_689] {strides = array<i32>} : memref<13312xf32, #tpu.memory_space<vmem>>, vector<16xf32>,
      %add3A_691 = arith.addf %add3A_684, %get3A_690 : vector<16xf32>
      %mul3A_692 = arith.constant 16 : i32
      %mul3A_693 = arith.muli %scan3A_575, %mul3A_692 : i32
      %add3A_694 = arith.constant 8704 : i32
      %add3A_695 = arith.addi %add3A_694, %mul3A_693 : i32
      %get3A_696 = arith.index_cast %add3A_695 : i32 to index
      %get3A_697 = tpu.vector_load %arg11[%get3A_696] {strides = array<i32>} : memref<13312xf32, #tpu.memory_space<vmem>>, vector<16xf32>,
      %add3A_698 = arith.addf %add3A_691, %get3A_697 : vector<16xf32>
      %mul3A_699 = arith.constant 16 : i32
      %mul3A_700 = arith.muli %scan3A_575, %mul3A_699 : i32
      %add3A_701 = arith.constant 9216 : i32
      %add3A_702 = arith.addi %add3A_701, %mul3A_700 : i32
      %get3A_703 = arith.index_cast %add3A_702 : i32 to index
      %get3A_704 = tpu.vector_load %arg11[%get3A_703] {strides = array<i32>} : memref<13312xf32, #tpu.memory_space<vmem>>, vector<16xf32>,
      %add3A_705 = arith.addf %add3A_698, %get3A_704 : vector<16xf32>
      %mul3A_706 = arith.constant 16 : i32
      %mul3A_707 = arith.muli %scan3A_575, %mul3A_706 : i32
      %add3A_708 = arith.constant 9728 : i32
      %add3A_709 = arith.addi %add3A_708, %mul3A_707 : i32
      %get3A_710 = arith.index_cast %add3A_709 : i32 to index
      %get3A_711 = tpu.vector_load %arg11[%get3A_710] {strides = array<i32>} : memref<13312xf32, #tpu.memory_space<vmem>>, vector<16xf32>,
      %add3A_712 = arith.addf %add3A_705, %get3A_711 : vector<16xf32>
      %mul3A_713 = arith.constant 16 : i32
      %mul3A_714 = arith.muli %scan3A_575, %mul3A_713 : i32
      %add3A_715 = arith.constant 10240 : i32
      %add3A_716 = arith.addi %add3A_715, %mul3A_714 : i32
      %get3A_717 = arith.index_cast %add3A_716 : i32 to index
      %get3A_718 = tpu.vector_load %arg11[%get3A_717] {strides = array<i32>} : memref<13312xf32, #tpu.memory_space<vmem>>, vector<16xf32>,
      %add3A_719 = arith.addf %add3A_712, %get3A_718 : vector<16xf32>
      %mul3A_720 = arith.constant 16 : i32
      %mul3A_721 = arith.muli %scan3A_575, %mul3A_720 : i32
      %add3A_722 = arith.constant 10752 : i32
      %add3A_723 = arith.addi %add3A_722, %mul3A_721 : i32
      %get3A_724 = arith.index_cast %add3A_723 : i32 to index
      %get3A_725 = tpu.vector_load %arg11[%get3A_724] {strides = array<i32>} : memref<13312xf32, #tpu.memory_space<vmem>>, vector<16xf32>,
      %add3A_726 = arith.addf %add3A_719, %get3A_725 : vector<16xf32>
      %mul3A_727 = arith.constant 16 : i32
      %mul3A_728 = arith.muli %scan3A_575, %mul3A_727 : i32
      %add3A_729 = arith.constant 11264 : i32
      %add3A_730 = arith.addi %add3A_729, %mul3A_728 : i32
      %get3A_731 = arith.index_cast %add3A_730 : i32 to index
      %get3A_732 = tpu.vector_load %arg11[%get3A_731] {strides = array<i32>} : memref<13312xf32, #tpu.memory_space<vmem>>, vector<16xf32>,
      %add3A_733 = arith.addf %add3A_726, %get3A_732 : vector<16xf32>
      %mul3A_734 = arith.constant 16 : i32
      %mul3A_735 = arith.muli %scan3A_575, %mul3A_734 : i32
      %add3A_736 = arith.constant 11776 : i32
      %add3A_737 = arith.addi %add3A_736, %mul3A_735 : i32
      %get3A_738 = arith.index_cast %add3A_737 : i32 to index
      %get3A_739 = tpu.vector_load %arg11[%get3A_738] {strides = array<i32>} : memref<13312xf32, #tpu.memory_space<vmem>>, vector<16xf32>,
      %add3A_740 = arith.addf %add3A_733, %get3A_739 : vector<16xf32>
      %mul3A_741 = arith.constant 16 : i32
      %mul3A_742 = arith.muli %scan3A_575, %mul3A_741 : i32
      %add3A_743 = arith.constant 12288 : i32
      %add3A_744 = arith.addi %add3A_743, %mul3A_742 : i32
      %get3A_745 = arith.index_cast %add3A_744 : i32 to index
      %get3A_746 = tpu.vector_load %arg11[%get3A_745] {strides = array<i32>} : memref<13312xf32, #tpu.memory_space<vmem>>, vector<16xf32>,
      %add3A_747 = arith.addf %add3A_740, %get3A_746 : vector<16xf32>
      %mul3A_748 = arith.constant 16 : i32
      %mul3A_749 = arith.muli %scan3A_575, %mul3A_748 : i32
      %add3A_750 = arith.constant 12800 : i32
      %add3A_751 = arith.addi %add3A_750, %mul3A_749 : i32
      %get3A_752 = arith.index_cast %add3A_751 : i32 to index
      %get3A_753 = tpu.vector_load %arg11[%get3A_752] {strides = array<i32>} : memref<13312xf32, #tpu.memory_space<vmem>>, vector<16xf32>,
      %add3A_754 = arith.addf %add3A_747, %get3A_753 : vector<16xf32>
      %add3A_755 = arith.addf %add3A_754, %get3A_568 : vector<16xf32>
      %mul3A_756 = arith.constant 16 : i32
      %mul3A_757 = arith.muli %scan3A_575, %mul3A_756 : i32
      %swap3A = arith.index_cast %mul3A_757 : i32 to index
      %swap3A_758 = tpu.vector_load %arg12[%swap3A] {strides = array<i32>} : memref<512xf32, #tpu.memory_space<vmem>>, vector<16xf32>,
      tpu.vector_store %arg12[%swap3A], %add3A_755 {strides = array<i32>} : memref<512xf32, #tpu.memory_space<vmem>>, vector<16xf32>,
    }
    %scan3A_574 = arith.constant 32 : i32
    "tpu.region"() ({
      %run_scoped3A = tpu.sem_alloc : memref<!tpu.dma_semaphore, #tpu.memory_space<semaphore_mem>>
      %dma_start3A_575 = tpu.memref_slice %arg5[%add3A] : memref<16384xf32, #tpu.memory_space<hbm>> -> memref<512xf32, #tpu.memory_space<hbm>>
      %dma_start3A_576 = tpu.memref_slice %arg5[%add3A] : memref<16384xf32, #tpu.memory_space<hbm>> -> memref<512xf32, #tpu.memory_space<hbm>>
      tpu.enqueue_dma source(%arg12 : memref<512xf32, #tpu.memory_space<vmem>>) target(%dma_start3A_576 : memref<512xf32, #tpu.memory_space<hbm>>) target_semaphore(%run_scoped3A : memref<!tpu.dma_semaphore, #tpu.memory_space<semaphore_mem>>)
      %dma_wait3A_577 = tpu.memref_slice %arg5[%add3A] : memref<16384xf32, #tpu.memory_space<hbm>> -> memref<512xf32, #tpu.memory_space<hbm>>
      %dma_wait3A_578 = tpu.memref_slice %arg5[%add3A] : memref<16384xf32, #tpu.memory_space<hbm>> -> memref<512xf32, #tpu.memory_space<hbm>>
      tpu.wait_dma2 semaphore(%run_scoped3A : memref<!tpu.dma_semaphore, #tpu.memory_space<semaphore_mem>>) src(%arg12 : memref<512xf32, #tpu.memory_space<vmem>>) dst(%dma_wait3A_578 : memref<512xf32, #tpu.memory_space<hbm>>)
      tpu.yield
    }) : () -> ()
    return
  }
}

</mosaic_0001>

<sc_bundles>
// kernel: _features_linear.3.cloned.1.call-start
scs
__scs_entry_jumppad:
0x0: {  	(pc) =	sbr.rel $0x88, $3  }
0x1: {  	(tag) =	ssettag $0x0;
	lr =	simm.s32 $0x1  }
0x2: {  	[smem:$0x3F9E] =	sst lr;
	_ =	strace $0xD0000000  }
0x3: {  	_ = 	snop  }
0x4: {  	_ = 	snop  }
0x5: {  	_ = 	snop  }
0x6: {  	_ = 	snop  }
0x7: {  	_ = 	snop  }
__scs_overlays_trampoline_lowered:
0x8: {  	[smem:$0x3FAD] =	sst s0  }
0x9: {  	[smem:$0x3FAE] =	sst s1  }
0xa: {  	[smem:$0x3FAF] =	sst s2  }
0xb: {  	[smem:$0x3FB0] =	sst s3  }
0xc: {  	[smem:$0x3FB1] =	sst s4  }
0xd: {  	[smem:$0x3FB2] =	sst s5  }
0xe: {  	[smem:$0x3FB3] =	sst s6  }
0xf: {  	[smem:$0x3FB4] =	sst s7  }
0x10: {  	[smem:$0x3FB5] =	sst s8  }
0x11: {  	[smem:$0x3FB6] =	sst s9;
	s0 =	simm.s32 @!p0 $0x0  }
0x12: {  	s1 =	sld [smem:$0x3F9C];
	s0 =	simm.s32 @p0 $0x1  }
0x13: {  	[smem:$0x3FB7] =	sst s0;
	s0 =	simm.s32 @!p1 $0x0  }
0x14: {  	s2 =	sld [smem:$0x3F9B];
	s0 =	simm.s32 @p1 $0x1  }
0x15: {  	[smem:$0x3FB8] =	sst s0;
	s0 =	simm.s32 @!p2 $0x0  }
0x16: {  	s3 =	sld [smem:$0x3FDB];
	s0 =	simm.s32 @p2 $0x1  }
0x17: {  	s4 =	simm.s32 $0x1BF5;
	[smem:$0x3FBA] =	sst s0  }
0x18: {  	s0 =	sld [smem:$0x3F9D];
	_ =	swait.ge [sflag:s4], $0x0  }
0x19: {  	s7 =	sld [smem:$0x3F9E]  }
0x1a: {  	s8 =	sadd.s32 $0xFFFFE003, lr  }
0x1b: {  	s9 =	sadd.s32 $0xFFFFFEF7, lr;
	s5 =	simm.s32 $0xFFFFFFFF;
	p2 =	slt.u32 s8, $0xFFFFF086  }
0x1c: {  	p1 =	slt.u32 s9, $0xF7A;
	s5 =	simm.s32 @!p2 $0x0  }
0x1d: {  	s5 =	simm.s32 @p1 $0x1;
	p0 =	seq.s32 s7, s2  }
0x1e: {  	s7 =	smul.u32 @!p0 $0xF7A, s2;
	p2 =	seq.s32 @!p0 s5, $0x0  }
0x1f: {  	s9 =	smul.u32 $0xF7A, s1;
	s8 =	simm.s32 @!p0 $0x1BF5;
	p2 =	por !p2, p0  }
0x20: {  	[sflag:s8] =	ssyncset.s32 @!p0 $0xFFFFF086;
	s6 =	sadd.s32 @!p0 s3, s7;
	s7 =	simm.s32 @!p0 $0x108  }
0x21: {  	s3 =	sadd.s32 s3, s9;
	s6 =	sadd.s32 @!p0 $0x88, s6;
	s7 =	simm.s32 @p2 $0x1082  }
0x22: {  	[simem:s7], [sflag:s8] =	dma.local @!p0 [hbm:s6], $0xF7A  }
0x23: {  	s9 =	sor.u32 $0xD0000000, s2;
	s6 =	simm.s32 $0x108;
	_ =	swait.ge @!p0 [sflag:s8], $0x0  }
0x24: {  	s3 =	sadd.s32 $0x88, s3;
	s6 =	simm.s32 @!p1 $0x1082;
	[sflag:s4] =	ssyncset.s32 $0xFFFFF086  }
0x25: {  	[simem:s6], [sflag:s4] =	dma.local [hbm:s3], $0xF7A  }
0x26: {  	[smem:$0x3F9E] =	sst s1;
	(tag) =	ssettag s2;
	_ =	strace s9  }
0x27: {  	s1 =	sld [smem:$0x3FAE]  }
0x28: {  	s2 =	sld [smem:$0x3FAF]  }
0x29: {  	s4 =	sld [smem:$0x3FB1]  }
0x2a: {  	p0 =	seq.s32 s5, $0x0;
	s5 =	sld [smem:$0x3FB2]  }
0x2b: {  	s6 =	sld [smem:$0x3FB3]  }
0x2c: {  	s7 =	sld [smem:$0x3FB4]  }
0x2d: {  	s3 =	simm.s32 $0x108;
	s8 =	sld [smem:$0x3FB5]  }
0x2e: {  	s3 =	simm.s32 @!p0 $0x1082;
	s9 =	sld [smem:$0x3FB6]  }
0x2f: {  	lr =	sadd.s32 s0, s3;
	s0 =	sld [smem:$0x3FAD]  }
0x30: {  	s3 =	sld [smem:$0x3FB0]  }
0x31: {  	[smem:$0x3FB9] =	sst s10  }
0x32: {  	s10 =	sld [smem:$0x3FB7];
	_ =	sdelay $0x3  }
0x33: {  	p0 =	seq.s32 s10, $0x1;
	s10 =	sld [smem:$0x3FB9];
	_ =	sdelay $0x3  }
0x34: {  	[smem:$0x3FB9] =	sst s10  }
0x35: {  	s10 =	sld [smem:$0x3FB8];
	_ =	sdelay $0x3  }
0x36: {  	p1 =	seq.s32 s10, $0x1;
	s10 =	sld [smem:$0x3FB9];
	_ =	sdelay $0x3  }
0x37: {  	[smem:$0x3FB9] =	sst s10  }
0x38: {  	s10 =	sld [smem:$0x3FBA]  }
0x39: {  	_ = 	snop;
	(pc) =	sbr.ind lr, $3  }
0x3a: {  	_ = 	snop  }
0x3b: {  	_ = 	snop  }
0x3c: {  	p2 =	seq.s32 s10, $0x1;
	s10 =	sld [smem:$0x3FB9]  }
0x3d: {  	_ =	shalt  }
0x3e: {  	_ =	shalt  }
0x3f: {  	_ =	shalt  }
0x40: {  	_ =	shalt  }
0x41: {  	_ =	shalt  }
0x42: {  	_ =	shalt  }
0x43: {  	_ =	shalt  }
0x44: {  	_ =	shalt  }
0x45: {  	_ =	shalt  }
0x46: {  	_ =	shalt  }
0x47: {  	_ =	shalt  }
0x48: {  	_ =	shalt  }
0x49: {  	_ =	shalt  }
0x4a: {  	_ =	shalt  }
0x4b: {  	_ =	shalt  }
0x4c: {  	_ =	shalt  }
0x4d: {  	_ =	shalt  }
0x4e: {  	_ =	shalt  }
0x4f: {  	_ =	shalt  }
0x50: {  	_ =	shalt  }
0x51: {  	_ =	shalt  }
0x52: {  	_ =	shalt  }
0x53: {  	_ =	shalt  }
0x54: {  	_ =	shalt  }
0x55: {  	_ =	shalt  }
0x56: {  	_ =	shalt  }
0x57: {  	_ =	shalt  }
0x58: {  	_ =	shalt  }
0x59: {  	_ =	shalt  }
0x5a: {  	_ =	shalt  }
0x5b: {  	_ =	shalt  }
0x5c: {  	_ =	shalt  }
0x5d: {  	_ =	shalt  }
0x5e: {  	_ =	shalt  }
0x5f: {  	_ =	shalt  }
0x60: {  	_ =	shalt  }
0x61: {  	_ =	shalt  }
0x62: {  	_ =	shalt  }
0x63: {  	_ =	shalt  }
0x64: {  	_ =	shalt  }
0x65: {  	_ =	shalt  }
0x66: {  	_ =	shalt  }
0x67: {  	_ =	shalt  }
0x68: {  	_ =	shalt  }
0x69: {  	_ =	shalt  }
0x6a: {  	_ =	shalt  }
0x6b: {  	_ =	shalt  }
0x6c: {  	_ =	shalt  }
0x6d: {  	_ =	shalt  }
0x6e: {  	_ =	shalt  }
0x6f: {  	_ =	shalt  }
0x70: {  	_ =	shalt  }
0x71: {  	_ =	shalt  }
0x72: {  	_ =	shalt  }
0x73: {  	_ =	shalt  }
0x74: {  	_ =	shalt  }
0x75: {  	_ =	shalt  }
0x76: {  	_ =	shalt  }
0x77: {  	_ =	shalt  }
0x78: {  	_ =	shalt  }
0x79: {  	_ =	shalt  }
0x7a: {  	_ =	shalt  }
0x7b: {  	_ =	shalt  }
0x7c: {  	_ =	shalt  }
0x7d: {  	_ =	shalt  }
0x7e: {  	_ =	shalt  }
0x7f: {  	_ =	shalt  }
0x80: {  	_ =	shalt  }
0x81: {  	_ =	shalt  }
0x82: {  	_ =	shalt  }
0x83: {  	_ =	shalt  }
0x84: {  	_ =	shalt  }
0x85: {  	_ =	shalt  }
0x86: {  	_ =	shalt  }
0x87: {  	_ =	shalt  }
.Lfunc_end0:
.L_simem_size_0:
called_computation_lowered:
.L_overlay_start_0:
0x88: {  	s2 =	sld [smem:$0x3FD9]  }
0x89: {  	s3 =	sld [smem:$0x3FFE];
	_ =	sdelay $0x1  }
0x8a: {  	s1 =	srdreg.scid  }
0x8b: {  	s0 =	sand.u32 $0x1, s1  }
0x8c: {  	s17 =	sshll.u32 s0, $0xA;
	s2 =	sadd.s32 s3, s2  }
0x8d: {  	s2 =	sadd.s32 s2, s17  }
0x8e: {  	[smem:$0x3FC5] =	sst s2  }
0x8f: {  	_ = 	snop  }
0x90: {  	s2 =	sld [smem:$0x3FC7]  }
0x91: {  	s18 =	sld [smem:$0x3FD0];
	(tm) =	ssettm $0x1  }
0x92: {  	s4 =	sld [smem:$0x3FFB];
	_ =	sdelay $0x3  }
0x93: {  	_ =	strace s4  }
0x94: {  	s4 =	sld [smem:$0x3FFC];
	_ =	sdelay $0x3  }
0x95: {  	_ =	strace s4  }
0x96: {  	s4 =	sld [smem:$0x3FFD];
	_ =	sdelay $0x3  }
0x97: {  	_ =	strace s4  }
0x98: {  	_ =	strace $0x8FFFFFFF  }
0x99: {  	s19 =	sld [smem:$0x3FDB];
	_ =	sdelay $0x1  }
0x9a: {  	s5 =	simm.s32 $_scs_section_size  }
0x9b: {  	s6 =	simm.s32 $_size__tile_overlayer_lowered;
	s7 =	simm.s32 $_tile_overlayer_lowered  }
0x9c: {  	s22 =	simm.s32 $0x1BFF;
	s21 =	sshll.u32 s7, $0x1;
	s4 =	sadd.s32 s5, s19  }
0x9d: {  	s8 =	simm.s32 $0x0;
	s20 =	sshll.u32 s6, $0x1;
	s6 =	sadd.s32 s21, s4  }
0x9e: {  	[timem:s8], [sflag:s22] =	dma.local [hbm:s6], s20  }
0x9f: {  	_ =	swait.ge [sflag:s22], s20  }
0xa0: {  	s5 =	ssub.s32 $0x0, s20;
	[sflag:s22] =	ssyncset.done $0x0  }
0xa1: {  	[sflag:s22] =	ssyncadd.s32 s5;
	_ =	sdelay $0x1  }
0xa2: {  	s23 =	simm.s32 $0x1B8B  }
0xa3: {  	_ =	swait.ge [sflag:s23], $0x1  }
0xa4: {  	[sflag:s23] =	ssyncset.done $0x0  }
0xa5: {  	s25 =	simm.s32 $0x1B8E;
	s24 =	sld [smem:$0x3FFE];
	[sflag:s23] =	ssyncadd.s32 $0xFFFFFFFF  }
0xa6: {  	s26 =	simm.s32 $execute0_lowered;
	[smem:$0x3FD2] =	sst s25  }
0xa7: {  	s6 =	sshll.u32 s26, $0x1;
	_ =	strace $0x80000046;
	[dreg:$0x1] =	wrdreg $0xFFFFFFFF  }
0xa8: {  	s28 =	simm.s32 $_size_execute0_lowered;
	s4 =	sadd.s32 s4, s6;
	[dreg:$0x0] =	wrdreg $0x0  }
0xa9: {  	s6 =	sshll.u32 s28, $0x1;
	[dreg:$0x2] =	wrdreg s4  }
0xaa: {  	[dreg:$0x3] =	wrdreg s6  }
0xab: {  	[dreg:$0x4] =	wrdreg $0xC0  }
0xac: {  	_ =	task [dreg:s8], $0x5FFFF  }
0xad: {  	[dreg:$0x1] =	wrdreg $0xFFFFFFFF  }
0xae: {  	[dreg:$0x0] =	wrdreg $0x60  }
0xaf: {  	[dreg:$0x2] =	wrdreg s24  }
0xb0: {  	[dreg:$0x3] =	wrdreg s2  }
0xb1: {  	[dreg:$0x4] =	wrdreg s18  }
0xb2: {  	[dreg:$0x5] =	wrdreg $0x1C2900  }
0xb3: {  	[dreg:$0x6] =	wrdreg $0x9  }
0xb4: {  	_ =	task.clear_ibuf [dreg:s8], $0x7FFFF;
	_ =	strace $0x90000046  }
0xb5: {  	s29 =	simm.s32 $0x9;
	_ =	strace $0x80000048  }
0xb6: {  	_ =	swait.ge [sflag:s29], $0x1  }
0xb7: {  	[sflag:s29] =	ssyncadd.s32 $0xFFFFFFFF  }
0xb8: {  	_ =	strace $0x90000048  }
0xb9: {  	_ =	sfence  }
0xba: {  	s30 =	sld [smem:$0x0];
	_ =	sdelay $0x2  }
0xbb: {  	s31 =	sshll.u32 s1, $0xD;
	s1 =	sshrl.u32 s1, $0x2  }
0xbc: {  	s3 =	sand.u32 $0x4000, s31;
	s1 =	sadd.s32 s1, s30  }
0xbd: {  	s0 =	sor.u32 s3, s0;
	s1 =	sshll.u32 s1, $0x11  }
0xbe: {  	s0 =	sor.u32 s1, s0  }
0xbf: {  	s0 =	sadd.s32 $0x8F2B, s0  }
0xc0: {  	[sflag:s0] =	ssyncadd.remote.s32 $0x1  }
0xc1: {  	_ =	sfence.sel $0xFFFF  }
0xc2: {  	[dreg:$0x0] =	wrdreg $0xFFFFFFFF;
	(pc) =	sbr.abs _section_cstart, $3  }
0xc3: {  	[dreg:$0x1] =	wrdreg $0xFFFFFFFF  }
0xc4: {  	_ =	task.clear_ibuf [dreg:s8], $0x2FFFF;
	_ =	strace $0x9FFFFFFF  }
0xc5: {  	(tm) =	ssettm $0x7FFFFFFF  }
tec
execute0_lowered:
.L_overlay_start_1:
0x0: {  	(tag) =	ssettag $0x1  }
0x1: {  	s0 =	rddreg [dreg:$0x0]  }
0x2: {  	s1 =	rddreg [dreg:$0x2]  }
0x3: {  	s3 =	rddreg [dreg:$0x3];
	s2 =	simm.s32 $0x0;
	s4 =	srdreg.scid  }
0x4: {  	s14 =	stileid.u32;
	[smem:$0x7FF] =	sst s2;
	s4 =	sand.u32 $0x1, s4  }
0x5: {  	s5 =	sadd.s32 $0x400, s0;
	s0 =	sadd.s32 $0xD400, s0;
	s26 =	sshll.u32 s14, $0x9  }
0x6: {  	s9 =	sor.u32 $0x10, s14;
	s10 =	sshll.u32 s14, $0xE;
	s11 =	smul.u32 $0x12C8, s14  }
0x7: {  	s15 =	sshll.u32 s14, $0xD;
	p0 =	sgt.u32 s14, $0x9;
	s14 =	simm.s32 $0x6  }
0x8: {  	_ =	strace $0x80000047;
	s6 =	ssub.s32 $0x2, s4;
	s4 =	sshll.u32 s4, $0xD  }
0x9: {  	s12 =	sshll.u32 s9, $0xE;
	s13 =	smul.u32 $0x12C8, s9;
	s16 =	sshll.u32 s9, $0xD  }
0xa: {  	s9 =	sadd.s32 s26, s3;
	s7 =	sshrl.u32 s6, $0x1;
	s8 =	sor.u32 s26, s4  }
0xb: {  	s10 =	sor.u32 s4, s10;
	s4 =	sor.u32 s4, s12;
	s11 =	sadd.s32 s0, s11  }
0xc: {  	s17 =	sadd.s32 $0x2000, s9;
	s18 =	sadd.s32 $0x4000, s9;
	[dreg:$0x5] =	wrdreg s11  }
0xd: {  	s19 =	sadd.s32 $0x6000, s9;
	s20 =	sadd.s32 $0x8000, s9;
	[dreg:$0xb] =	wrdreg s17  }
0xe: {  	s21 =	sadd.s32 $0xA000, s9;
	s22 =	sadd.s32 $0xC000, s9;
	[dreg:$0xc] =	wrdreg s18  }
0xf: {  	s23 =	sadd.s32 $0xE000, s9;
	s24 =	sadd.s32 $0x10000, s9;
	[dreg:$0xd] =	wrdreg s19  }
0x10: {  	s25 =	sadd.s32 $0x12000, s9;
	s28 =	sadd.s32 $0x1E000, s9;
	[dreg:$0xe] =	wrdreg s20  }
0x11: {  	s29 =	sadd.s32 $0x20000, s9;
	s30 =	sadd.s32 $0x22000, s9;
	[dreg:$0xf] =	wrdreg s21  }
0x12: {  	s31 =	sadd.s32 $0x24000, s9;
	s12 =	simm.s32 $0x7;
	[dreg:$0x10] =	wrdreg s22  }
0x13: {  	s6 =	ssub.s32 s6, s7;
	s10 =	sshrl.u32 s10, $0x3;
	[dreg:$0x11] =	wrdreg s23  }
0x14: {  	s4 =	sshrl.u32 s4, $0x3;
	s0 =	sadd.s32 s0, s13;
	[dreg:$0x12] =	wrdreg s24  }
0x15: {  	[dreg:$0x13] =	wrdreg s25;
	s20 =	sadd.s32 $0x14000, s9;
	s26 =	sshrl.u32 s8, $0x3  }
0x16: {  	s21 =	sadd.s32 $0x16000, s9;
	s22 =	sadd.s32 $0x18000, s9;
	s24 =	sadd.s32 $0x1A000, s9  }
0x17: {  	s7 =	simm.s32 $0x1;
	s8 =	simm.s32 $0x3;
	s11 =	simm.s32 $0x9640  }
0x18: {  	s10 =	sadd.s32 s5, s10;
	[dreg:$0x7] =	wrdreg s0;
	s13 =	sadd.s32 s5, s4  }
0x19: {  	s0 =	sadd.s32 s15, s3;
	s23 =	sadd.s32 s1, s26;
	s25 =	smax.u32 s6, $0x1  }
0x1a: {  	s26 =	sadd.s32 $0x1C000, s9;
	s1 =	sadd.s32 $0x2A000, s9;
	[dreg:$0x6] =	wrdreg s10  }
0x1b: {  	s4 =	sadd.s32 $0x2E000, s9;
	s5 =	sadd.s32 $0x30000, s9;
	[dreg:$0x8] =	wrdreg s13  }
0x1c: {  	s6 =	sadd.s32 $0x32000, s9;
	s15 =	simm.s32 $0x0;
	[dreg:$0x9] =	wrdreg s0  }
0x1d: {  	s0 =	sadd.s32 s16, s3;
	s3 =	sadd.s32 $0x28000, s9;
	s10 =	sadd.s32 $0x2C000, s9  }
0x1e: {  	s13 =	simm.s32 $0x5;
	[dreg:$0xa] =	wrdreg s0;
	s0 =	sadd.s32 $0x26000, s9  }
.LBB2_1:
0x1f: {  	s16 =	rddreg [dreg:$0x5]  }
0x20: {  	[tilespmem:s2], [sflag:$0x1] =	stream.linear.gather [hbm4b:s16+s2], $0x9640, $0x38;
	[tilespmem:$0x1F690] =	vst v63  }
0x21: {  	s19 =	rddreg [dreg:$0x6];
	s17 =	simm.s32 $0x12C80  }
0x22: {  	[tilespmem:s17], [sflag:$0x3] =	stream.linear.gather [hbm4b:s19+s2], $0x2000, $0x38;
	[tilespmem:$0x1F690] =	vst v63  }
0x23: {  	s18 =	rddreg [dreg:$0x7];
	s16 =	simm.s32 @!p0 $0x0;
	s17 =	simm.s32 @!p0 $0x9640  }
0x24: {  	[tilespmem:s17], [sflag:$0x2] =	stream.linear.gather @!p0 [hbm4b:s18+s16], $0x9640, $0x38;
	[tilespmem:$0x1F690] =	vst v63  }
0x25: {  	s17 =	simm.s32 @!p0 $0x14C80;
	s18 =	rddreg [dreg:$0x8]  }
0x26: {  	[tilespmem:s17], [sflag:$0x4] =	stream.linear.gather @!p0 [hbm4b:s18+s16], $0x2000, $0x38;
	[tilespmem:$0x1F690] =	vst v63  }
0x27: {  	_ =	swait.ge [sflag:s7], $0x9640  }
0x28: {  	[sflag:s7] =	ssyncset.done $0x0  }
0x29: {  	[sflag:s7] =	ssyncadd.s32 $0xFFFF69C0  }
0x2a: {  	_ =	swait.ge [sflag:s8], $0x2000  }
0x2b: {  	[sflag:s8] =	ssyncset.done $0x0  }
0x2c: {  	s16 =	simm.s32 $0x0;
	[sflag:s8] =	ssyncadd.s32 $0xFFFFE000  }
0x2d: {  	v0 =	vld [tilespmem:s16+$0x12C80];
	_ =	sdelay $0x5  }
0x2e: {  	v1 =	vld [tilespmem:s16+$0x12C90];
	_ =	sdelay $0x1  }
0x2f: {  	v0 =	vld.idx.msk [tilespmem:v0+s2+$0x0], $0xffff;
	_ =	sdelay $0x4  }
0x30: {  	[tilespmem:s16+$0x16C80] =	vst v0;
	v0 =	vld [tilespmem:s16+$0x12CA0]  }
0x31: {  	v1 =	vld.idx.msk [tilespmem:v1+s2+$0x0], $0xffff;
	_ =	sdelay $0x4  }
0x32: {  	[tilespmem:s16+$0x16C90] =	vst v1;
	v1 =	vld [tilespmem:s16+$0x12CB0];
	_ =	sdelay $0x1  }
0x33: {  	v0 =	vld.idx.msk [tilespmem:v0+s2+$0x0], $0xffff;
	_ =	sdelay $0x4  }
0x34: {  	[tilespmem:s16+$0x16CA0] =	vst v0;
	v0 =	vld [tilespmem:s16+$0x12CC0]  }
0x35: {  	v1 =	vld.idx.msk [tilespmem:v1+s2+$0x0], $0xffff;
	_ =	sdelay $0x4  }
0x36: {  	[tilespmem:s16+$0x16CB0] =	vst v1;
	v1 =	vld [tilespmem:s16+$0x12CD0];
	_ =	sdelay $0x1  }
0x37: {  	v0 =	vld.idx.msk [tilespmem:v0+s2+$0x0], $0xffff;
	_ =	sdelay $0x4  }
0x38: {  	v2 =	vld [tilespmem:s16+$0x12CE0];
	[tilespmem:s16+$0x16CC0] =	vst v0  }
0x39: {  	v0 =	vld.idx.msk [tilespmem:v1+s2+$0x0], $0xffff;
	_ =	sdelay $0x4  }
0x3a: {  	[tilespmem:s16+$0x16CD0] =	vst v0;
	v0 =	vld [tilespmem:s16+$0x12CF0];
	_ =	sdelay $0x1  }
0x3b: {  	v1 =	vld.idx.msk [tilespmem:v2+s2+$0x0], $0xffff;
	_ =	sdelay $0x3  }
0x3c: {  	s18 =	simm.s32 $0x80;
	s17 =	simm.s32 $0x400  }
.LBB2_2:
0x3d: {  	p1 =	sne.s32 s17, $0x7E00;
	v2 =	vld [tilespmem:s18+$0x12C80];
	[tilespmem:s16+$0x16CE0] =	vst v1  }
0x3e: {  	v0 =	vld.idx.msk [tilespmem:v0+s2+$0x0], $0xffff;
	_ =	sdelay $0x5  }
0x3f: {  	v1 =	vld [tilespmem:s18+$0x12C90];
	[tilespmem:s16+$0x16CF0] =	vst v0;
	s16 =	smov.u32 s18  }
0x40: {  	v0 =	vld.idx.msk [tilespmem:v2+s2+$0x0], $0xffff;
	_ =	sdelay $0x5  }
0x41: {  	[tilespmem:s16+$0x16C80] =	vst v0;
	v0 =	vld [tilespmem:s16+$0x12CA0]  }
0x42: {  	v1 =	vld.idx.msk [tilespmem:v1+s2+$0x0], $0xffff;
	_ =	sdelay $0x5  }
0x43: {  	[tilespmem:s16+$0x16C90] =	vst v1;
	v1 =	vld [tilespmem:s16+$0x12CB0]  }
0x44: {  	v0 =	vld.idx.msk [tilespmem:v0+s2+$0x0], $0xffff;
	_ =	sdelay $0x5  }
0x45: {  	[tilespmem:s16+$0x16CA0] =	vst v0;
	v0 =	vld [tilespmem:s16+$0x12CC0]  }
0x46: {  	v1 =	vld.idx.msk [tilespmem:v1+s2+$0x0], $0xffff;
	_ =	sdelay $0x5  }
0x47: {  	[tilespmem:s16+$0x16CB0] =	vst v1;
	v1 =	vld [tilespmem:s16+$0x12CD0]  }
0x48: {  	v0 =	vld.idx.msk [tilespmem:v0+s2+$0x0], $0xffff;
	_ =	sdelay $0x5  }
0x49: {  	[tilespmem:s16+$0x16CC0] =	vst v0;
	v2 =	vld [tilespmem:s16+$0x12CE0]  }
0x4a: {  	v0 =	vld.idx.msk [tilespmem:v1+s2+$0x0], $0xffff;
	_ =	sdelay $0x5  }
0x4b: {  	[tilespmem:s16+$0x16CD0] =	vst v0;
	v0 =	vld [tilespmem:s16+$0x12CF0]  }
0x4c: {  	v1 =	vld.idx.msk [tilespmem:v2+s2+$0x0], $0xffff  }
.Ltmp0:
0x4d: {  	(pc) =	sbr.rel @p1 .LBB2_2-.Ltmp0, $2  }
0x4e: {  	_ =	sdelay $0x2  }
0x4f: {  	s18 =	sshra.s32 s17, $0x2;
	s17 =	sadd.s32 $0x200, s17  }
0x50: {  	_ =	sdelay $0x1  }
0x51: {  	v2 =	vld [tilespmem:s18+$0x12C80]  }
0x52: {  	[tilespmem:s16+$0x16CE0] =	vst v1  }
0x53: {  	v0 =	vld.idx.msk [tilespmem:v0+s2+$0x0], $0xffff;
	_ =	sdelay $0x3  }
0x54: {  	v1 =	vld [tilespmem:s18+$0x12C90]  }
0x55: {  	[tilespmem:s16+$0x16CF0] =	vst v0  }
0x56: {  	v0 =	vld.idx.msk [tilespmem:v2+s2+$0x0], $0xffff;
	_ =	sdelay $0x3  }
0x57: {  	v58 =	vld [tilespmem:s18+$0x12CA0]  }
0x58: {  	[tilespmem:s18+$0x16C80] =	vst v0  }
0x59: {  	v1 =	vld.idx.msk [tilespmem:v1+s2+$0x0], $0xffff;
	_ =	sdelay $0x3  }
0x5a: {  	v59 =	vld [tilespmem:s18+$0x12CB0]  }
0x5b: {  	[tilespmem:s18+$0x16C90] =	vst v1  }
0x5c: {  	v0 =	vld.idx.msk [tilespmem:v58+s2+$0x0], $0xffff;
	_ =	sdelay $0x3  }
0x5d: {  	v60 =	vld [tilespmem:s18+$0x12CC0]  }
0x5e: {  	[tilespmem:s18+$0x16CA0] =	vst v0  }
0x5f: {  	v1 =	vld.idx.msk [tilespmem:v59+s2+$0x0], $0xffff;
	_ =	sdelay $0x3  }
0x60: {  	v61 =	vld [tilespmem:s18+$0x12CD0]  }
0x61: {  	[tilespmem:s18+$0x16CB0] =	vst v1  }
0x62: {  	v0 =	vld.idx.msk [tilespmem:v60+s2+$0x0], $0xffff;
	_ =	sdelay $0x3  }
0x63: {  	v62 =	vld [tilespmem:s18+$0x12CE0]  }
0x64: {  	[tilespmem:s18+$0x16CC0] =	vst v0  }
0x65: {  	v1 =	vld.idx.msk [tilespmem:v61+s2+$0x0], $0xffff;
	_ =	sdelay $0x3  }
0x66: {  	v63 =	vld [tilespmem:s18+$0x12CF0]  }
0x67: {  	[tilespmem:s18+$0x16CD0] =	vst v1  }
0x68: {  	v0 =	vld.idx.msk [tilespmem:v62+s2+$0x0], $0xffff;
	_ =	sdelay $0x4  }
0x69: {  	[tilespmem:s18+$0x16CE0] =	vst v0  }
0x6a: {  	v0 =	vld.idx.msk [tilespmem:v63+s2+$0x0], $0xffff;
	_ =	sdelay $0x1  }
.Ltmp1:
0x6b: {  	_ = 	snop;
	(pc) =	sbr.rel @p0 .LBB2_7-.Ltmp1, $3  }
0x6c: {  	_ =	sdelay $0x1  }
0x6d: {  	s19 =	rddreg [dreg:$0x9];
	s17 =	simm.s32 $0x16C80;
	[tilespmem:s18+$0x16CF0] =	vst v0  }
0x6e: {  	[spmem:s19] =	stream.linear.scatter [tilespmem:s17], [sflag:$0x5], $0x2000, $0x38;
	[tilespmem:$0x1F690] =	vst v63  }
0x6f: {  	s16 =	simm.s32 $0x2  }
0x70: {  	_ =	swait.ge [sflag:s16], $0x9640  }
0x71: {  	[sflag:s16] =	ssyncset.done $0x0  }
0x72: {  	s19 =	simm.s32 $0x4;
	[sflag:s16] =	ssyncadd.s32 $0xFFFF69C0  }
0x73: {  	_ =	swait.ge [sflag:s19], $0x2000  }
0x74: {  	[sflag:s19] =	ssyncset.done $0x0  }
0x75: {  	s16 =	simm.s32 $0x0;
	[sflag:s19] =	ssyncadd.s32 $0xFFFFE000  }
0x76: {  	v0 =	vld [tilespmem:s16+$0x14C80];
	_ =	sdelay $0x5  }
0x77: {  	v1 =	vld [tilespmem:s16+$0x14C90];
	_ =	sdelay $0x1  }
0x78: {  	v0 =	vld.idx.msk [tilespmem:v0+s11+$0x0], $0xffff;
	_ =	sdelay $0x4  }
0x79: {  	[tilespmem:s16+$0x18C80] =	vst v0;
	v0 =	vld [tilespmem:s16+$0x14CA0]  }
0x7a: {  	v1 =	vld.idx.msk [tilespmem:v1+s11+$0x0], $0xffff;
	_ =	sdelay $0x4  }
0x7b: {  	[tilespmem:s16+$0x18C90] =	vst v1;
	v1 =	vld [tilespmem:s16+$0x14CB0];
	_ =	sdelay $0x1  }
0x7c: {  	v0 =	vld.idx.msk [tilespmem:v0+s11+$0x0], $0xffff;
	_ =	sdelay $0x4  }
0x7d: {  	[tilespmem:s16+$0x18CA0] =	vst v0;
	v0 =	vld [tilespmem:s16+$0x14CC0]  }
0x7e: {  	v1 =	vld.idx.msk [tilespmem:v1+s11+$0x0], $0xffff;
	_ =	sdelay $0x4  }
0x7f: {  	[tilespmem:s16+$0x18CB0] =	vst v1;
	v1 =	vld [tilespmem:s16+$0x14CD0];
	_ =	sdelay $0x1  }
0x80: {  	v0 =	vld.idx.msk [tilespmem:v0+s11+$0x0], $0xffff;
	_ =	sdelay $0x4  }
0x81: {  	v2 =	vld [tilespmem:s16+$0x14CE0];
	[tilespmem:s16+$0x18CC0] =	vst v0  }
0x82: {  	v0 =	vld.idx.msk [tilespmem:v1+s11+$0x0], $0xffff;
	_ =	sdelay $0x4  }
0x83: {  	[tilespmem:s16+$0x18CD0] =	vst v0;
	v0 =	vld [tilespmem:s16+$0x14CF0];
	_ =	sdelay $0x1  }
0x84: {  	v1 =	vld.idx.msk [tilespmem:v2+s11+$0x0], $0xffff;
	_ =	sdelay $0x3  }
0x85: {  	s18 =	simm.s32 $0x80;
	s17 =	simm.s32 $0x400  }
.LBB2_5:
0x86: {  	p1 =	sne.s32 s17, $0x7E00;
	v2 =	vld [tilespmem:s18+$0x14C80];
	[tilespmem:s16+$0x18CE0] =	vst v1  }
0x87: {  	v0 =	vld.idx.msk [tilespmem:v0+s11+$0x0], $0xffff;
	_ =	sdelay $0x5  }
0x88: {  	v1 =	vld [tilespmem:s18+$0x14C90];
	[tilespmem:s16+$0x18CF0] =	vst v0;
	s16 =	smov.u32 s18  }
0x89: {  	v0 =	vld.idx.msk [tilespmem:v2+s11+$0x0], $0xffff;
	_ =	sdelay $0x5  }
0x8a: {  	[tilespmem:s16+$0x18C80] =	vst v0;
	v0 =	vld [tilespmem:s16+$0x14CA0]  }
0x8b: {  	v1 =	vld.idx.msk [tilespmem:v1+s11+$0x0], $0xffff;
	_ =	sdelay $0x5  }
0x8c: {  	[tilespmem:s16+$0x18C90] =	vst v1;
	v1 =	vld [tilespmem:s16+$0x14CB0]  }
0x8d: {  	v0 =	vld.idx.msk [tilespmem:v0+s11+$0x0], $0xffff;
	_ =	sdelay $0x5  }
0x8e: {  	[tilespmem:s16+$0x18CA0] =	vst v0;
	v0 =	vld [tilespmem:s16+$0x14CC0]  }
0x8f: {  	v1 =	vld.idx.msk [tilespmem:v1+s11+$0x0], $0xffff;
	_ =	sdelay $0x5  }
0x90: {  	[tilespmem:s16+$0x18CB0] =	vst v1;
	v1 =	vld [tilespmem:s16+$0x14CD0]  }
0x91: {  	v0 =	vld.idx.msk [tilespmem:v0+s11+$0x0], $0xffff;
	_ =	sdelay $0x5  }
0x92: {  	[tilespmem:s16+$0x18CC0] =	vst v0;
	v2 =	vld [tilespmem:s16+$0x14CE0]  }
0x93: {  	v0 =	vld.idx.msk [tilespmem:v1+s11+$0x0], $0xffff;
	_ =	sdelay $0x5  }
0x94: {  	[tilespmem:s16+$0x18CD0] =	vst v0;
	v0 =	vld [tilespmem:s16+$0x14CF0]  }
0x95: {  	v1 =	vld.idx.msk [tilespmem:v2+s11+$0x0], $0xffff  }
.Ltmp2:
0x96: {  	(pc) =	sbr.rel @p1 .LBB2_5-.Ltmp2, $2  }
0x97: {  	_ =	sdelay $0x2  }
0x98: {  	s18 =	sshra.s32 s17, $0x2;
	s17 =	sadd.s32 $0x200, s17  }
0x99: {  	_ =	sdelay $0x1  }
0x9a: {  	v2 =	vld [tilespmem:s18+$0x14C80]  }
0x9b: {  	[tilespmem:s16+$0x18CE0] =	vst v1  }
0x9c: {  	v0 =	vld.idx.msk [tilespmem:v0+s11+$0x0], $0xffff;
	_ =	sdelay $0x3  }
0x9d: {  	v1 =	vld [tilespmem:s18+$0x14C90]  }
0x9e: {  	[tilespmem:s16+$0x18CF0] =	vst v0  }
0x9f: {  	v0 =	vld.idx.msk [tilespmem:v2+s11+$0x0], $0xffff;
	_ =	sdelay $0x3  }
0xa0: {  	v58 =	vld [tilespmem:s18+$0x14CA0]  }
0xa1: {  	[tilespmem:s18+$0x18C80] =	vst v0  }
0xa2: {  	v1 =	vld.idx.msk [tilespmem:v1+s11+$0x0], $0xffff;
	_ =	sdelay $0x3  }
0xa3: {  	v59 =	vld [tilespmem:s18+$0x14CB0]  }
0xa4: {  	[tilespmem:s18+$0x18C90] =	vst v1  }
0xa5: {  	v0 =	vld.idx.msk [tilespmem:v58+s11+$0x0], $0xffff;
	_ =	sdelay $0x3  }
0xa6: {  	v60 =	vld [tilespmem:s18+$0x14CC0]  }
0xa7: {  	[tilespmem:s18+$0x18CA0] =	vst v0  }
0xa8: {  	v1 =	vld.idx.msk [tilespmem:v59+s11+$0x0], $0xffff;
	_ =	sdelay $0x3  }
0xa9: {  	v61 =	vld [tilespmem:s18+$0x14CD0]  }
0xaa: {  	[tilespmem:s18+$0x18CB0] =	vst v1  }
0xab: {  	v0 =	vld.idx.msk [tilespmem:v60+s11+$0x0], $0xffff;
	_ =	sdelay $0x3  }
0xac: {  	v62 =	vld [tilespmem:s18+$0x14CE0]  }
0xad: {  	[tilespmem:s18+$0x18CC0] =	vst v0  }
0xae: {  	v1 =	vld.idx.msk [tilespmem:v61+s11+$0x0], $0xffff;
	_ =	sdelay $0x3  }
0xaf: {  	v63 =	vld [tilespmem:s18+$0x14CF0]  }
0xb0: {  	[tilespmem:s18+$0x18CD0] =	vst v1  }
0xb1: {  	v0 =	vld.idx.msk [tilespmem:v62+s11+$0x0], $0xffff;
	_ =	sdelay $0x4  }
0xb2: {  	[tilespmem:s18+$0x18CE0] =	vst v0  }
0xb3: {  	v0 =	vld.idx.msk [tilespmem:v63+s11+$0x0], $0xffff;
	_ =	sdelay $0x4  }
0xb4: {  	s19 =	rddreg [dreg:$0xa];
	s17 =	simm.s32 $0x18C80;
	[tilespmem:s18+$0x18CF0] =	vst v0  }
0xb5: {  	[spmem:s19] =	stream.linear.scatter [tilespmem:s17], [sflag:$0x7], $0x2000, $0x38;
	[tilespmem:$0x1F690] =	vst v63  }
0xb6: {  	_ =	swait.ge [sflag:s12], $0x2000  }
0xb7: {  	[sflag:s12] =	ssyncset.done $0x0  }
0xb8: {  	[sflag:s12] =	ssyncadd.s32 $0xFFFFE000  }
.LBB2_7:
0xb9: {  	_ =	swait.ge [sflag:s13], $0x2000  }
0xba: {  	[sflag:s13] =	ssyncset.done $0x0  }
0xbb: {  	[sflag:s13] =	ssyncadd.s32 $0xFFFFE000  }
0xbc: {  	[bflag:$0x0] =	sbarrier.arrive $0xFFFF  }
0xbd: {  	s16 =	simm.s32 $0x0;
	s18 =	simm.s32 $0x1C280;
	s17 =	rddreg [dreg:$0x1]  }
0xbe: {  	[tilespmem:s18], [sflag:$0x7] =	stream.linear.gather [hbm4b:s17+s16], $0x10, $0x38;
	[tilespmem:$0x1F690] =	vst v63  }
0xbf: {  	_ =	swait.ge [sflag:s12], $0x10  }
0xc0: {  	[sflag:s12] =	ssyncset.done $0x0  }
0xc1: {  	s17 =	simm.s32 $0x18C80;
	[sflag:s12] =	ssyncadd.s32 $0xFFFFFFF0  }
0xc2: {  	[tilespmem:s17], [sflag:$0x6] =	stream.linear.gather [spmem:s9], $0x200, $0x38;
	[tilespmem:$0x1F690] =	vst v63  }
0xc3: {  	s19 =	simm.s32 $0x18E80;
	s18 =	rddreg [dreg:$0xb]  }
0xc4: {  	[tilespmem:s19], [sflag:$0x6] =	stream.linear.gather [spmem:s18], $0x200, $0x38;
	[tilespmem:$0x1F690] =	vst v63  }
0xc5: {  	s18 =	rddreg [dreg:$0xc];
	s19 =	simm.s32 $0x19080  }
0xc6: {  	[tilespmem:s19], [sflag:$0x6] =	stream.linear.gather [spmem:s18], $0x200, $0x38;
	[tilespmem:$0x1F690] =	vst v63  }
0xc7: {  	s18 =	rddreg [dreg:$0xd];
	s19 =	simm.s32 $0x19280  }
0xc8: {  	[tilespmem:s19], [sflag:$0x6] =	stream.linear.gather [spmem:s18], $0x200, $0x38;
	[tilespmem:$0x1F690] =	vst v63  }
0xc9: {  	s18 =	rddreg [dreg:$0xe];
	s19 =	simm.s32 $0x19480  }
0xca: {  	[tilespmem:s19], [sflag:$0x6] =	stream.linear.gather [spmem:s18], $0x200, $0x38;
	[tilespmem:$0x1F690] =	vst v63  }
0xcb: {  	s18 =	rddreg [dreg:$0xf];
	s19 =	simm.s32 $0x19680  }
0xcc: {  	[tilespmem:s19], [sflag:$0x6] =	stream.linear.gather [spmem:s18], $0x200, $0x38;
	[tilespmem:$0x1F690] =	vst v63  }
0xcd: {  	s18 =	rddreg [dreg:$0x10];
	s19 =	simm.s32 $0x19880  }
0xce: {  	[tilespmem:s19], [sflag:$0x6] =	stream.linear.gather [spmem:s18], $0x200, $0x38;
	[tilespmem:$0x1F690] =	vst v63  }
0xcf: {  	s18 =	rddreg [dreg:$0x11];
	s19 =	simm.s32 $0x19A80  }
0xd0: {  	[tilespmem:s19], [sflag:$0x6] =	stream.linear.gather [spmem:s18], $0x200, $0x38;
	[tilespmem:$0x1F690] =	vst v63  }
0xd1: {  	s18 =	rddreg [dreg:$0x12];
	s19 =	simm.s32 $0x19C80  }
0xd2: {  	[tilespmem:s19], [sflag:$0x6] =	stream.linear.gather [spmem:s18], $0x200, $0x38;
	[tilespmem:$0x1F690] =	vst v63  }
0xd3: {  	s17 =	rddreg [dreg:$0x13];
	s18 =	simm.s32 $0x19E80  }
0xd4: {  	[tilespmem:s18], [sflag:$0x6] =	stream.linear.gather [spmem:s17], $0x200, $0x38;
	[tilespmem:$0x1F690] =	vst v63  }
0xd5: {  	s19 =	simm.s32 $0x1A080  }
0xd6: {  	[tilespmem:s19], [sflag:$0x6] =	stream.linear.gather [spmem:s20], $0x200, $0x38;
	[tilespmem:$0x1F690] =	vst v63  }
0xd7: {  	s17 =	simm.s32 $0x1A280  }
0xd8: {  	[tilespmem:s17], [sflag:$0x6] =	stream.linear.gather [spmem:s21], $0x200, $0x38;
	[tilespmem:$0x1F690] =	vst v63  }
0xd9: {  	s18 =	simm.s32 $0x1A480  }
0xda: {  	[tilespmem:s18], [sflag:$0x6] =	stream.linear.gather [spmem:s22], $0x200, $0x38;
	[tilespmem:$0x1F690] =	vst v63  }
0xdb: {  	s19 =	simm.s32 $0x1A680  }
0xdc: {  	[tilespmem:s19], [sflag:$0x6] =	stream.linear.gather [spmem:s24], $0x200, $0x38;
	[tilespmem:$0x1F690] =	vst v63  }
0xdd: {  	s17 =	simm.s32 $0x1A880  }
0xde: {  	[tilespmem:s17], [sflag:$0x6] =	stream.linear.gather [spmem:s26], $0x200, $0x38;
	[tilespmem:$0x1F690] =	vst v63  }
0xdf: {  	s18 =	simm.s32 $0x1AA80  }
0xe0: {  	[tilespmem:s18], [sflag:$0x6] =	stream.linear.gather [spmem:s28], $0x200, $0x38;
	[tilespmem:$0x1F690] =	vst v63  }
0xe1: {  	s19 =	simm.s32 $0x1AC80  }
0xe2: {  	[tilespmem:s19], [sflag:$0x6] =	stream.linear.gather [spmem:s29], $0x200, $0x38;
	[tilespmem:$0x1F690] =	vst v63  }
0xe3: {  	s17 =	simm.s32 $0x1AE80  }
0xe4: {  	[tilespmem:s17], [sflag:$0x6] =	stream.linear.gather [spmem:s30], $0x200, $0x38;
	[tilespmem:$0x1F690] =	vst v63  }
0xe5: {  	s18 =	simm.s32 $0x1B080  }
0xe6: {  	[tilespmem:s18], [sflag:$0x6] =	stream.linear.gather [spmem:s31], $0x200, $0x38;
	[tilespmem:$0x1F690] =	vst v63  }
0xe7: {  	s19 =	simm.s32 $0x1B280  }
0xe8: {  	[tilespmem:s19], [sflag:$0x6] =	stream.linear.gather [spmem:s0], $0x200, $0x38;
	[tilespmem:$0x1F690] =	vst v63  }
0xe9: {  	s17 =	simm.s32 $0x1B480  }
0xea: {  	[tilespmem:s17], [sflag:$0x6] =	stream.linear.gather [spmem:s3], $0x200, $0x38;
	[tilespmem:$0x1F690] =	vst v63  }
0xeb: {  	s18 =	simm.s32 $0x1B680  }
0xec: {  	[tilespmem:s18], [sflag:$0x6] =	stream.linear.gather [spmem:s1], $0x200, $0x38;
	[tilespmem:$0x1F690] =	vst v63  }
0xed: {  	s19 =	simm.s32 $0x1B880  }
0xee: {  	[tilespmem:s19], [sflag:$0x6] =	stream.linear.gather [spmem:s10], $0x200, $0x38;
	[tilespmem:$0x1F690] =	vst v63  }
0xef: {  	s17 =	simm.s32 $0x1BA80  }
0xf0: {  	[tilespmem:s17], [sflag:$0x6] =	stream.linear.gather [spmem:s4], $0x200, $0x38;
	[tilespmem:$0x1F690] =	vst v63  }
0xf1: {  	s18 =	simm.s32 $0x1BC80  }
0xf2: {  	[tilespmem:s18], [sflag:$0x6] =	stream.linear.gather [spmem:s5], $0x200, $0x38;
	[tilespmem:$0x1F690] =	vst v63  }
0xf3: {  	s19 =	simm.s32 $0x1BE80  }
0xf4: {  	[tilespmem:s19], [sflag:$0x6] =	stream.linear.gather [spmem:s6], $0x200, $0x38;
	[tilespmem:$0x1F690] =	vst v63  }
0xf5: {  	_ =	swait.ge [sflag:s14], $0x200  }
0xf6: {  	[sflag:s14] =	ssyncset.done $0x0  }
0xf7: {  	[sflag:s14] =	ssyncadd.s32 $0xFFFFFE00  }
0xf8: {  	_ =	swait.ge [sflag:s14], $0x200  }
0xf9: {  	[sflag:s14] =	ssyncset.done $0x0  }
0xfa: {  	[sflag:s14] =	ssyncadd.s32 $0xFFFFFE00  }
0xfb: {  	_ =	swait.ge [sflag:s14], $0x200  }
0xfc: {  	[sflag:s14] =	ssyncset.done $0x0  }
0xfd: {  	[sflag:s14] =	ssyncadd.s32 $0xFFFFFE00  }
0xfe: {  	_ =	swait.ge [sflag:s14], $0x200  }
0xff: {  	[sflag:s14] =	ssyncset.done $0x0  }
0x100: {  	[sflag:s14] =	ssyncadd.s32 $0xFFFFFE00  }
0x101: {  	_ =	swait.ge [sflag:s14], $0x200  }
0x102: {  	[sflag:s14] =	ssyncset.done $0x0  }
0x103: {  	[sflag:s14] =	ssyncadd.s32 $0xFFFFFE00  }
0x104: {  	_ =	swait.ge [sflag:s14], $0x200  }
0x105: {  	[sflag:s14] =	ssyncset.done $0x0  }
0x106: {  	[sflag:s14] =	ssyncadd.s32 $0xFFFFFE00  }
0x107: {  	_ =	swait.ge [sflag:s14], $0x200  }
0x108: {  	[sflag:s14] =	ssyncset.done $0x0  }
0x109: {  	[sflag:s14] =	ssyncadd.s32 $0xFFFFFE00  }
0x10a: {  	_ =	swait.ge [sflag:s14], $0x200  }
0x10b: {  	[sflag:s14] =	ssyncset.done $0x0  }
0x10c: {  	[sflag:s14] =	ssyncadd.s32 $0xFFFFFE00  }
0x10d: {  	_ =	swait.ge [sflag:s14], $0x200  }
0x10e: {  	[sflag:s14] =	ssyncset.done $0x0  }
0x10f: {  	[sflag:s14] =	ssyncadd.s32 $0xFFFFFE00  }
0x110: {  	_ =	swait.ge [sflag:s14], $0x200  }
0x111: {  	[sflag:s14] =	ssyncset.done $0x0  }
0x112: {  	[sflag:s14] =	ssyncadd.s32 $0xFFFFFE00  }
0x113: {  	_ =	swait.ge [sflag:s14], $0x200  }
0x114: {  	[sflag:s14] =	ssyncset.done $0x0  }
0x115: {  	[sflag:s14] =	ssyncadd.s32 $0xFFFFFE00  }
0x116: {  	_ =	swait.ge [sflag:s14], $0x200  }
0x117: {  	[sflag:s14] =	ssyncset.done $0x0  }
0x118: {  	[sflag:s14] =	ssyncadd.s32 $0xFFFFFE00  }
0x119: {  	_ =	swait.ge [sflag:s14], $0x200  }
0x11a: {  	[sflag:s14] =	ssyncset.done $0x0  }
0x11b: {  	[sflag:s14] =	ssyncadd.s32 $0xFFFFFE00  }
0x11c: {  	_ =	swait.ge [sflag:s14], $0x200  }
0x11d: {  	[sflag:s14] =	ssyncset.done $0x0  }
0x11e: {  	[sflag:s14] =	ssyncadd.s32 $0xFFFFFE00  }
0x11f: {  	_ =	swait.ge [sflag:s14], $0x200  }
0x120: {  	[sflag:s14] =	ssyncset.done $0x0  }
0x121: {  	[sflag:s14] =	ssyncadd.s32 $0xFFFFFE00  }
0x122: {  	_ =	swait.ge [sflag:s14], $0x200  }
0x123: {  	[sflag:s14] =	ssyncset.done $0x0  }
0x124: {  	[sflag:s14] =	ssyncadd.s32 $0xFFFFFE00  }
0x125: {  	_ =	swait.ge [sflag:s14], $0x200  }
0x126: {  	[sflag:s14] =	ssyncset.done $0x0  }
0x127: {  	[sflag:s14] =	ssyncadd.s32 $0xFFFFFE00  }
0x128: {  	_ =	swait.ge [sflag:s14], $0x200  }
0x129: {  	[sflag:s14] =	ssyncset.done $0x0  }
0x12a: {  	[sflag:s14] =	ssyncadd.s32 $0xFFFFFE00  }
0x12b: {  	_ =	swait.ge [sflag:s14], $0x200  }
0x12c: {  	[sflag:s14] =	ssyncset.done $0x0  }
0x12d: {  	[sflag:s14] =	ssyncadd.s32 $0xFFFFFE00  }
0x12e: {  	_ =	swait.ge [sflag:s14], $0x200  }
0x12f: {  	[sflag:s14] =	ssyncset.done $0x0  }
0x130: {  	[sflag:s14] =	ssyncadd.s32 $0xFFFFFE00  }
0x131: {  	_ =	swait.ge [sflag:s14], $0x200  }
0x132: {  	[sflag:s14] =	ssyncset.done $0x0  }
0x133: {  	[sflag:s14] =	ssyncadd.s32 $0xFFFFFE00  }
0x134: {  	_ =	swait.ge [sflag:s14], $0x200  }
0x135: {  	[sflag:s14] =	ssyncset.done $0x0  }
0x136: {  	[sflag:s14] =	ssyncadd.s32 $0xFFFFFE00  }
0x137: {  	_ =	swait.ge [sflag:s14], $0x200  }
0x138: {  	[sflag:s14] =	ssyncset.done $0x0  }
0x139: {  	[sflag:s14] =	ssyncadd.s32 $0xFFFFFE00  }
0x13a: {  	_ =	swait.ge [sflag:s14], $0x200  }
0x13b: {  	[sflag:s14] =	ssyncset.done $0x0  }
0x13c: {  	[sflag:s14] =	ssyncadd.s32 $0xFFFFFE00  }
0x13d: {  	_ =	swait.ge [sflag:s14], $0x200  }
0x13e: {  	[sflag:s14] =	ssyncset.done $0x0  }
0x13f: {  	[sflag:s14] =	ssyncadd.s32 $0xFFFFFE00  }
0x140: {  	_ =	swait.ge [sflag:s14], $0x200  }
0x141: {  	[sflag:s14] =	ssyncset.done $0x0  }
0x142: {  	s17 =	simm.s32 $0x0;
	[sflag:s14] =	ssyncadd.s32 $0xFFFFFE00  }
0x143: {  	v0 =	vld [tilespmem:s17+$0x18C80]  }
0x144: {  	v1 =	vld [tilespmem:s17+$0x18E80];
	_ =	sdelay $0x1  }
0x145: {  	v2 =	vld [tilespmem:s17+$0x19080];
	_ =	sdelay $0x1  }
0x146: {  	v3 =	vld [tilespmem:s17+$0x19280]  }
0x147: {  	v0 =	vadd.f32 v1, v0  }
0x148: {  	v1 =	vld [tilespmem:s17+$0x19480]  }
0x149: {  	v0 =	vadd.f32 v2, v0  }
0x14a: {  	v2 =	vld [tilespmem:s17+$0x19680]  }
0x14b: {  	v0 =	vadd.f32 v3, v0  }
0x14c: {  	v3 =	vld [tilespmem:s17+$0x19880]  }
0x14d: {  	v0 =	vadd.f32 v1, v0  }
0x14e: {  	v1 =	vld [tilespmem:s17+$0x19A80]  }
0x14f: {  	v0 =	vadd.f32 v2, v0  }
0x150: {  	v2 =	vld [tilespmem:s17+$0x19C80]  }
0x151: {  	v0 =	vadd.f32 v3, v0  }
0x152: {  	v3 =	vld [tilespmem:s17+$0x19E80]  }
0x153: {  	v0 =	vadd.f32 v1, v0  }
0x154: {  	v1 =	vld [tilespmem:s17+$0x1A080]  }
0x155: {  	v2 =	vadd.f32 v2, v0  }
0x156: {  	v4 =	vld [tilespmem:s17+$0x1A280]  }
0x157: {  	v5 =	vld [tilespmem:s17+$0x1A680];
	v2 =	vadd.f32 v3, v2  }
0x158: {  	s16 =	simm.s32 $0x10;
	v3 =	vld [tilespmem:s17+$0x1A480]  }
0x159: {  	v6 =	vld [tilespmem:s16+$0x18C80];
	v1 =	vadd.f32 v1, v2  }
0x15a: {  	v7 =	vld [tilespmem:s16+$0x19080]  }
0x15b: {  	v2 =	vld [tilespmem:s17+$0x1A880];
	v1 =	vadd.f32 v4, v1  }
0x15c: {  	v4 =	vld [tilespmem:s16+$0x18E80]  }
0x15d: {  	v8 =	vld [tilespmem:s16+$0x19280];
	v1 =	vadd.f32 v3, v1  }
0x15e: {  	v3 =	vld [tilespmem:s17+$0x1AA80]  }
0x15f: {  	v9 =	vld [tilespmem:s16+$0x1A080];
	v1 =	vadd.f32 v5, v1  }
0x160: {  	v5 =	vld [tilespmem:s17+$0x1AC80]  }
0x161: {  	v4 =	vadd.f32 v4, v6;
	v6 =	vld [tilespmem:s16+$0x19480];
	v1 =	vadd.f32 v2, v1  }
0x162: {  	v2 =	vld [tilespmem:s17+$0x1AE80]  }
0x163: {  	v4 =	vadd.f32 v7, v4;
	v7 =	vld [tilespmem:s16+$0x19680];
	v1 =	vadd.f32 v3, v1  }
0x164: {  	v3 =	vld [tilespmem:s17+$0x1B080]  }
0x165: {  	v4 =	vadd.f32 v8, v4;
	v8 =	vld [tilespmem:s16+$0x19880];
	v1 =	vadd.f32 v5, v1  }
0x166: {  	v5 =	vld [tilespmem:s17+$0x1B280]  }
0x167: {  	v4 =	vadd.f32 v6, v4;
	v6 =	vld [tilespmem:s16+$0x19A80];
	v1 =	vadd.f32 v2, v1  }
0x168: {  	v2 =	vld [tilespmem:s17+$0x1B480]  }
0x169: {  	v4 =	vadd.f32 v7, v4;
	v7 =	vld [tilespmem:s16+$0x19C80];
	v1 =	vadd.f32 v3, v1  }
0x16a: {  	v3 =	vld [tilespmem:s17+$0x1B680]  }
0x16b: {  	v4 =	vadd.f32 v8, v4;
	v8 =	vld [tilespmem:s16+$0x19E80];
	v1 =	vadd.f32 v5, v1  }
0x16c: {  	v5 =	vld [tilespmem:s17+$0x1B880]  }
0x16d: {  	v10 =	vld [tilespmem:s16+$0x1A280];
	v4 =	vadd.f32 v6, v4;
	v1 =	vadd.f32 v2, v1  }
0x16e: {  	v6 =	vld [tilespmem:s17+$0x1BA80]  }
0x16f: {  	v0 =	vld [tilespmem:$0x1C280];
	v2 =	vadd.f32 v7, v4;
	v1 =	vadd.f32 v3, v1  }
0x170: {  	v7 =	vld [tilespmem:s17+$0x1BC80]  }
0x171: {  	v4 =	vld [tilespmem:s16+$0x1A480];
	v3 =	vadd.f32 v8, v2;
	v5 =	vadd.f32 v5, v1  }
0x172: {  	v2 =	vld [tilespmem:s17+$0x1BE80]  }
0x173: {  	v1 =	vld [tilespmem:s16+$0x1A880];
	v8 =	vadd.f32 v9, v3;
	v63 =	vadd.f32 v6, v5  }
0x174: {  	s18 =	simm.s32 $0x20;
	v5 =	vld [tilespmem:s16+$0x1A680]  }
0x175: {  	s19 =	simm.s32 $0xC0;
	v3 =	vld [tilespmem:s18+$0x18C80];
	v6 =	vadd.f32 v10, v8;
	v7 =	vadd.f32 v7, v63  }
.LBB2_8:
0x176: {  	p1 =	sne.s32 s19, $0x7C0;
	v8 =	vld [tilespmem:s18+$0x18E80]  }
0x177: {  	v4 =	vadd.f32 v4, v6;
	v6 =	vld [tilespmem:s16+$0x1AA80];
	v2 =	vadd.f32 v2, v7  }
0x178: {  	v7 =	vld [tilespmem:s18+$0x19080]  }
0x179: {  	v4 =	vadd.f32 v5, v4;
	v5 =	vld [tilespmem:s16+$0x1AC80];
	v2 =	vadd.f32 v2, v0  }
0x17a: {  	v9 =	vld [tilespmem:s18+$0x19280]  }
0x17b: {  	v3 =	vadd.f32 v8, v3;
	v1 =	vadd.f32 v1, v4;
	v4 =	vld [tilespmem:s16+$0x1AE80];
	[tilespmem:s17+$0x1C080] =	vst v2;
	s17 =	smov.u32 s16;
	s16 =	smov.u32 s18  }
0x17c: {  	v2 =	vld [tilespmem:s16+$0x19480]  }
0x17d: {  	v3 =	vadd.f32 v7, v3;
	v1 =	vadd.f32 v6, v1;
	v6 =	vld [tilespmem:s17+$0x1B080]  }
0x17e: {  	v7 =	vld [tilespmem:s16+$0x19680]  }
0x17f: {  	v3 =	vadd.f32 v9, v3;
	v1 =	vadd.f32 v5, v1;
	v5 =	vld [tilespmem:s17+$0x1B280]  }
0x180: {  	v8 =	vld [tilespmem:s16+$0x19880]  }
0x181: {  	v2 =	vadd.f32 v2, v3;
	v1 =	vadd.f32 v4, v1;
	v3 =	vld [tilespmem:s17+$0x1B480]  }
0x182: {  	v4 =	vld [tilespmem:s16+$0x19A80]  }
0x183: {  	v2 =	vadd.f32 v7, v2;
	v1 =	vadd.f32 v6, v1;
	v6 =	vld [tilespmem:s17+$0x1B680]  }
0x184: {  	v7 =	vld [tilespmem:s16+$0x19C80]  }
0x185: {  	v2 =	vadd.f32 v8, v2;
	v1 =	vadd.f32 v5, v1;
	v5 =	vld [tilespmem:s17+$0x1B880]  }
0x186: {  	v8 =	vld [tilespmem:s16+$0x19E80]  }
0x187: {  	v2 =	vadd.f32 v4, v2;
	v1 =	vadd.f32 v3, v1;
	v3 =	vld [tilespmem:s17+$0x1BA80]  }
0x188: {  	v9 =	vld [tilespmem:s16+$0x1A080]  }
0x189: {  	v2 =	vadd.f32 v7, v2;
	v1 =	vadd.f32 v6, v1;
	v7 =	vld [tilespmem:s17+$0x1BC80]  }
0x18a: {  	v6 =	vld [tilespmem:s16+$0x1A280]  }
.Ltmp3:
0x18b: {  	v8 =	vadd.f32 v8, v2;
	v5 =	vadd.f32 v5, v1;
	v2 =	vld [tilespmem:s17+$0x1BE80];
	(pc) =	sbr.rel @p1 .LBB2_8-.Ltmp3, $4  }
0x18c: {  	v4 =	vld [tilespmem:s16+$0x1A480]  }
0x18d: {  	v8 =	vadd.f32 v9, v8;
	v1 =	vld [tilespmem:s16+$0x1A880];
	v9 =	vadd.f32 v3, v5  }
0x18e: {  	s18 =	sshra.s32 s19, $0x2;
	v5 =	vld [tilespmem:s16+$0x1A680]  }
0x18f: {  	s19 =	sadd.s32 $0x40, s19;
	v3 =	vld [tilespmem:s18+$0x18C80];
	v6 =	vadd.f32 v6, v8;
	v7 =	vadd.f32 v7, v9  }
0x190: {  	v8 =	vld [tilespmem:s18+$0x18E80]  }
0x191: {  	v9 =	vld [tilespmem:s16+$0x1AA80];
	v2 =	vadd.f32 v2, v7  }
0x192: {  	v31 =	vld [tilespmem:s18+$0x19080]  }
0x193: {  	v10 =	vld [tilespmem:s16+$0x1AC80];
	v4 =	vadd.f32 v4, v6;
	v2 =	vadd.f32 v2, v0  }
0x194: {  	v32 =	vld [tilespmem:s18+$0x19280]  }
0x195: {  	v11 =	vld [tilespmem:s16+$0x1AE80];
	v4 =	vadd.f32 v5, v4;
	v3 =	vadd.f32 v8, v3;
	[tilespmem:s17+$0x1C080] =	vst v2  }
0x196: {  	v2 =	vld [tilespmem:s18+$0x19480]  }
0x197: {  	v1 =	vadd.f32 v1, v4;
	v3 =	vadd.f32 v31, v3  }
0x198: {  	v33 =	vld [tilespmem:s18+$0x19680]  }
0x199: {  	v34 =	vld [tilespmem:s16+$0x1B080];
	v1 =	vadd.f32 v9, v1;
	v3 =	vadd.f32 v32, v3  }
0x19a: {  	v35 =	vld [tilespmem:s18+$0x19880]  }
0x19b: {  	v36 =	vld [tilespmem:s16+$0x1B280];
	v1 =	vadd.f32 v10, v1;
	v2 =	vadd.f32 v2, v3  }
0x19c: {  	v37 =	vld [tilespmem:s18+$0x19A80]  }
0x19d: {  	v38 =	vld [tilespmem:s16+$0x1B480];
	v1 =	vadd.f32 v11, v1;
	v2 =	vadd.f32 v33, v2  }
0x19e: {  	v39 =	vld [tilespmem:s18+$0x19C80]  }
0x19f: {  	v40 =	vld [tilespmem:s16+$0x1B680];
	v1 =	vadd.f32 v34, v1;
	v2 =	vadd.f32 v35, v2  }
0x1a0: {  	v41 =	vld [tilespmem:s18+$0x19E80]  }
0x1a1: {  	v42 =	vld [tilespmem:s16+$0x1B880];
	v1 =	vadd.f32 v36, v1;
	v2 =	vadd.f32 v37, v2  }
0x1a2: {  	v43 =	vld [tilespmem:s18+$0x1A080]  }
0x1a3: {  	v44 =	vld [tilespmem:s16+$0x1BA80];
	v1 =	vadd.f32 v38, v1;
	v2 =	vadd.f32 v39, v2  }
0x1a4: {  	v45 =	vld [tilespmem:s18+$0x1A280]  }
0x1a5: {  	v46 =	vld [tilespmem:s16+$0x1BC80];
	v1 =	vadd.f32 v40, v1;
	v2 =	vadd.f32 v41, v2  }
0x1a6: {  	v47 =	vld [tilespmem:s18+$0x1A480]  }
0x1a7: {  	v48 =	vld [tilespmem:s16+$0x1BE80];
	v1 =	vadd.f32 v42, v1;
	v2 =	vadd.f32 v43, v2  }
0x1a8: {  	v49 =	vld [tilespmem:s18+$0x1A680]  }
0x1a9: {  	v1 =	vadd.f32 v44, v1;
	v2 =	vadd.f32 v45, v2  }
0x1aa: {  	v50 =	vld [tilespmem:s18+$0x1A880]  }
0x1ab: {  	v1 =	vadd.f32 v46, v1;
	v2 =	vadd.f32 v47, v2  }
0x1ac: {  	v51 =	vld [tilespmem:s18+$0x1AA80]  }
0x1ad: {  	v1 =	vadd.f32 v48, v1;
	v2 =	vadd.f32 v49, v2  }
0x1ae: {  	v52 =	vld [tilespmem:s18+$0x1AC80]  }
0x1af: {  	v1 =	vadd.f32 v1, v0;
	v2 =	vadd.f32 v50, v2  }
0x1b0: {  	v53 =	vld [tilespmem:s18+$0x1AE80]  }
0x1b1: {  	[tilespmem:s16+$0x1C080] =	vst v1;
	v54 =	vadd.f32 v51, v2  }
0x1b2: {  	v55 =	vld [tilespmem:s18+$0x1B080]  }
0x1b3: {  	v1 =	vadd.f32 v52, v54  }
0x1b4: {  	v56 =	vld [tilespmem:s18+$0x1B280]  }
0x1b5: {  	v1 =	vadd.f32 v53, v1  }
0x1b6: {  	v57 =	vld [tilespmem:s18+$0x1B480]  }
0x1b7: {  	v1 =	vadd.f32 v55, v1  }
0x1b8: {  	v58 =	vld [tilespmem:s18+$0x1B680]  }
0x1b9: {  	v1 =	vadd.f32 v56, v1  }
0x1ba: {  	v59 =	vld [tilespmem:s18+$0x1B880]  }
0x1bb: {  	v1 =	vadd.f32 v57, v1  }
0x1bc: {  	v60 =	vld [tilespmem:s18+$0x1BA80]  }
0x1bd: {  	v1 =	vadd.f32 v58, v1  }
0x1be: {  	v61 =	vld [tilespmem:s18+$0x1BC80]  }
0x1bf: {  	v1 =	vadd.f32 v59, v1  }
0x1c0: {  	v62 =	vld [tilespmem:s18+$0x1BE80]  }
0x1c1: {  	v1 =	vadd.f32 v60, v1;
	_ =	sdelay $0x1  }
0x1c2: {  	v1 =	vadd.f32 v61, v1;
	_ =	sdelay $0x1  }
0x1c3: {  	v1 =	vadd.f32 v62, v1;
	_ =	sdelay $0x1  }
0x1c4: {  	s15 =	sadd.s32 $0x1, s15;
	v63 =	vadd.f32 v1, v0  }
0x1c5: {  	p1 =	sne.s32 s15, s25  }
.Ltmp4:
0x1c6: {  	s19 =	simm.s32 $0x1C080;
	[tilespmem:s18+$0x1C080] =	vst v63;
	(pc) =	sbr.rel @p1 .LBB2_1-.Ltmp4, $4  }
0x1c7: {  	[hbm4b:s23+s2] =	stream.linear.scatter [tilespmem:s19], [sflag:$0x7], $0x200, $0x38;
	[tilespmem:$0x1F690] =	vst v63  }
0x1c8: {  	_ =	swait.ge [sflag:s12], $0x200  }
0x1c9: {  	[sflag:s12] =	ssyncset.done $0x0  }
0x1ca: {  	[sflag:s12] =	ssyncadd.s32 $0xFFFFFE00  }
0x1cb: {  	_ =	sfence.sel $0x180000  }
0x1cc: {  	[bflag:$0x0] =	sbarrier.arrive $0xFFFF  }
0x1cd: {  	_ =	strace $0x90000047  }
0x1ce: {  	s0 =	stileid.u32;
	[bflag:$0x2] =	sbarrier.arrive $0xFFFF  }
0x1cf: {  	p0 =	sne.s32 s0, $0x0;
	s0 =	rddreg [dreg:$0x4]  }
0x1d0: {  	s0 =	sadd.s32 @!p0 $0x100000, s0  }
0x1d1: {  	[sflag:s0] =	ssyncadd.tile.s32 @!p0 $0x1;
	_ =	shalt  }
.Lfunc_end2:
_tile_overlayer_lowered:
.L_overlay_start_2:
0x1d2: {  	(tag) =	ssettag $0x2  }
0x1d3: {  	s0 =	rddreg [dreg:$0x0];
	s2 =	stileid.u32  }
0x1d4: {  	s1 =	rddreg [dreg:$0x1];
	p0 =	sne.s32 s2, $0x0  }
0x1d5: {  	s3 =	rddreg [dreg:$0x2];
	[bflag:$0x3] =	sbarrier.arrive $0xFFFF;
	s2 =	simm.s32 @!p0 $0x1C07  }
0x1d6: {  	[timem:s3], [sflag:s2] =	dma.local @!p0 [hbm:s0], s1  }
0x1d7: {  	s0 =	simm.s32 @!p0 $0x7  }
0x1d8: {  	_ =	swait.ge @!p0 [sflag:s0], s1  }
0x1d9: {  	s1 =	ssub.s32 @!p0 $0x0, s1;
	[sflag:s0] =	ssyncset.done @!p0 $0x0  }
0x1da: {  	[sflag:s0] =	ssyncadd.s32 @!p0 s1  }
0x1db: {  	[bflag:$0x3] =	sbarrier.arrive $0xFFFF  }
0x1dc: {  	_ =	shalt  }

</sc_bundles>
